<compile_context>
chip_gen: v7x
topology: tpu7x:2x2x1
jax: 0.10.2.dev20260603
libtpu: 0.0.44.dev20260713+nightly
codegen_flags: <defaults>
</compile_context>

<pallas_src>
import functools

import jax
import jax.numpy as jnp
from jax import lax
from jax.experimental import pallas as pl
from jax.experimental.pallas import tpu as pltpu
from jax.experimental.pallas import tpu_sc as plsc

N = 10000
D = 128
E = 320000

NC = 2
NS = 16
NW = NC * NS

EC = 128
CH = 79
GP = EC // 16
WB = 128
EPT = CH * EC
E_PAD = NW * EPT
NPAD = 10240
RPS = NPAD // NS

_mesh = plsc.VectorSubcoreMesh(core_axis_name="c", subcore_axis_name="s")
_sc_params = pltpu.CompilerParams(needs_layout_passes=False)



@functools.partial(
    pl.kernel,
    out_type=jax.ShapeDtypeStruct((NC, NPAD), jnp.float32),
    mesh=_mesh,
    compiler_params=_sc_params,
    scratch_types=[
        pltpu.VMEM((CH, EC), jnp.int32),
        pltpu.VMEM((NPAD,), jnp.float32),
        pltpu.VMEM((RPS,), jnp.float32),
        pltpu.VMEM((RPS,), jnp.float32),
        pltpu.VMEM_SHARED((NS, NPAD), jnp.float32),
    ],
)
def _deg_kernel(col_hbm, deg_out, cbuf, hist, tbuf, acc, sh):
    c = lax.axis_index("c")
    s = lax.axis_index("s")
    wid = c * NS + s
    pltpu.sync_copy(col_hbm.at[wid], cbuf)
    zeros = jnp.zeros((16,), jnp.float32)
    ones = jnp.ones((16,), jnp.float32)

    def zh(i, _):
        hist[pl.ds(i * 16, 16)] = zeros
        return 0
    lax.fori_loop(0, NPAD // 16, zh, 0)

    def count(i, _):
        idx = cbuf[i // GP, pl.ds((i % GP) * 16, 16)]
        plsc.addupdate_scatter(hist, [idx], ones)
        return 0
    lax.fori_loop(0, CH * GP, count, 0)

    pltpu.sync_copy(hist, sh.at[s])
    plsc.subcore_barrier()

    base = s * RPS

    def za(j, _):
        acc[pl.ds(j * 16, 16)] = zeros
        return 0
    lax.fori_loop(0, RPS // 16, za, 0)

    def combine(k, _):
        pltpu.sync_copy(sh.at[k, pl.ds(base, RPS)], tbuf)

        def addj(j, _):
            acc[pl.ds(j * 16, 16)] += tbuf[pl.ds(j * 16, 16)]
            return 0
        lax.fori_loop(0, RPS // 16, addj, 0)
        return 0
    lax.fori_loop(0, NS, combine, 0)

    pltpu.sync_copy(acc, deg_out.at[c, pl.ds(base, RPS)])


@functools.partial(
    pl.kernel,
    out_type=jax.ShapeDtypeStruct((NC, NPAD, D), jnp.float32),
    mesh=_mesh,
    compiler_params=_sc_params,
    scratch_types=[
        pltpu.VMEM((CH, EC), jnp.int32),
        pltpu.VMEM((CH, EC), jnp.int32),
        pltpu.VMEM((EC, D), jnp.float32),
        pltpu.VMEM_SHARED((NPAD, D), jnp.float32),
        pltpu.SemaphoreType.DMA,
    ],
)
def _scatter_kernel(z_hbm, row_hbm, col_hbm, s_out, rbuf, cbuf, gbuf, acc,
                    sem):
    c = lax.axis_index("c")
    s = lax.axis_index("s")
    wid = c * NS + s
    pltpu.sync_copy(row_hbm.at[wid], rbuf)
    pltpu.sync_copy(col_hbm.at[wid], cbuf)

    zeros = jnp.zeros((16,), jnp.float32)

    def zg(i, _):
        gbuf[i // 8, pl.ds((i % 8) * 16, 16)] = zeros
        return 0
    lax.fori_loop(0, EC * 8, zg, 0)

    base = s * RPS

    def zacc(i, _):
        pltpu.sync_copy(gbuf.at[pl.ds(0, WB)],
                        acc.at[pl.ds(base + i * WB, WB)])
        return 0
    lax.fori_loop(0, RPS // WB, zacc, 0)
    plsc.subcore_barrier()

    def chunk(j, _):
        pltpu.async_copy(z_hbm.at[rbuf.at[j]], gbuf, sem).wait()
        pltpu.sync_copy(gbuf, acc.at[cbuf.at[j]], add=True)
        return 0
    lax.fori_loop(0, CH, chunk, 0)

    plsc.subcore_barrier()

    def wb(i, _):
        r0 = base + i * WB
        pltpu.sync_copy(acc.at[pl.ds(r0, WB)], gbuf.at[pl.ds(0, WB)])
        pltpu.sync_copy(gbuf.at[pl.ds(0, WB)], s_out.at[c, pl.ds(r0, WB)])
        return 0
    lax.fori_loop(0, RPS // WB, wb, 0)


@functools.partial(
    pl.kernel,
    out_type=jax.ShapeDtypeStruct((NW, CH, EC), jnp.float32),
    mesh=_mesh,
    compiler_params=_sc_params,
    scratch_types=[
        pltpu.VMEM((CH, EC), jnp.int32),
        pltpu.VMEM((CH, EC), jnp.int32),
        pltpu.VMEM((NPAD,), jnp.float32),
        pltpu.VMEM((NPAD,), jnp.float32),
        pltpu.VMEM((CH, EC), jnp.float32),
    ],
)
def _edge_kernel(ab_hbm, row_hbm, col_hbm, out, rbuf, cbuf, abuf, bbuf, obuf):
    c = lax.axis_index("c")
    s = lax.axis_index("s")
    wid = c * NS + s
    pltpu.sync_copy(row_hbm.at[wid], rbuf)
    pltpu.sync_copy(col_hbm.at[wid], cbuf)
    pltpu.sync_copy(ab_hbm.at[0], abuf)
    pltpu.sync_copy(ab_hbm.at[1], bbuf)

    def body(i, _):
        ch = i // GP
        j = (i % GP) * 16
        ri = rbuf[ch, pl.ds(j, 16)]
        ci = cbuf[ch, pl.ds(j, 16)]
        t = plsc.load_gather(abuf, [ri]) + plsc.load_gather(bbuf, [ci])
        obuf[ch, pl.ds(j, 16)] = 1.0 / (1.0 + jnp.exp(-t))
        return 0
    lax.fori_loop(0, CH * GP, body, 0)

    pltpu.sync_copy(obuf, out.at[wid])



R = 1000
_PREC = lax.Precision.HIGHEST


def _dis(deg_ref):
    return lax.rsqrt(deg_ref[:, 0] + deg_ref[:, 1] + 1.0)


def _tc1_body(deg_ref, x_ref, fcw_ref, fcb_ref, w1_ref, z1_ref):
    dis = _dis(deg_ref)
    h0 = jnp.dot(x_ref[...], fcw_ref[...], precision=_PREC,
                 preferred_element_type=jnp.float32) + fcb_ref[...]
    y1 = jnp.dot(h0, w1_ref[...], precision=_PREC,
                 preferred_element_type=jnp.float32)
    z1_ref[...] = dis[:, None] * y1


def _tc2_body(deg_ref, s_ref, z1_ref, b1_ref, w2_ref, z2_ref):
    dis = _dis(deg_ref)
    m = s_ref[0] + s_ref[1] + z1_ref[...]
    h1 = jnp.maximum(dis[:, None] * m + b1_ref[...], 0.0)
    y2 = jnp.dot(h1, w2_ref[...], precision=_PREC,
                 preferred_element_type=jnp.float32)
    z2_ref[...] = dis[:, None] * y2


def _tc3_body(deg_ref, s_ref, z2_ref, b2_ref, nsw_ref, nsb_ref, esw_ref,
              esb_ref, ns_out, ab_out):
    dis = _dis(deg_ref)
    m = s_ref[0] + s_ref[1] + z2_ref[...]
    h2 = jnp.maximum(dis[:, None] * m + b2_ref[...], 0.0)
    nl = jnp.dot(h2, nsw_ref[...], precision=_PREC,
                 preferred_element_type=jnp.float32) + nsb_ref[...]
    ns_out[...] = 1.0 / (1.0 + jnp.exp(-nl))
    ab = jnp.dot(h2, esw_ref[...], precision=_PREC,
                 preferred_element_type=jnp.float32)
    ab_out[...] = ab + esb_ref[...]


_deg_spec = pl.BlockSpec((R, 2), lambda i: (i, 0))
_row_spec = pl.BlockSpec((R, D), lambda i: (i, 0))
_w_spec = pl.BlockSpec((D, D), lambda i: (0, 0))
_b_spec = pl.BlockSpec((1, D), lambda i: (0, 0))
_s_spec = pl.BlockSpec((2, R, D), lambda i: (0, i, 0))

_tc1 = pl.pallas_call(
    _tc1_body,
    grid=(N // R,),
    in_specs=[_deg_spec, _row_spec, _w_spec, _b_spec, _w_spec],
    out_specs=_row_spec,
    out_shape=jax.ShapeDtypeStruct((N, D), jnp.float32),
)

_tc2 = pl.pallas_call(
    _tc2_body,
    grid=(N // R,),
    in_specs=[_deg_spec, _s_spec, _row_spec, _b_spec, _w_spec],
    out_specs=_row_spec,
    out_shape=jax.ShapeDtypeStruct((N, D), jnp.float32),
)

_tc3 = pl.pallas_call(
    _tc3_body,
    grid=(N // R,),
    in_specs=[
        _deg_spec, _s_spec, _row_spec, _b_spec,
        pl.BlockSpec((D, 1), lambda i: (0, 0)),
        pl.BlockSpec((1, 1), lambda i: (0, 0)),
        pl.BlockSpec((D, 2), lambda i: (0, 0)),
        pl.BlockSpec((1, 2), lambda i: (0, 0)),
    ],
    out_specs=[
        pl.BlockSpec((R, 1), lambda i: (i, 0)),
        pl.BlockSpec((R, 2), lambda i: (i, 0)),
    ],
    out_shape=[
        jax.ShapeDtypeStruct((N, 1), jnp.float32),
        jax.ShapeDtypeStruct((N, 2), jnp.float32),
    ],
)


def kernel(x, edge_index, fc_W, fc_b, w1, b1, w2, b2, ns_W, ns_b, es_W, es_b):
    row = edge_index[0].astype(jnp.int32)
    col = edge_index[1].astype(jnp.int32)
    pad = E_PAD - E
    pidx = jnp.arange(pad, dtype=jnp.int32)
    rowp = jnp.concatenate([row, pidx % N])
    colp = jnp.concatenate([col, N + pidx % (NPAD - N)])
    row3 = rowp.reshape(NW, CH, EC)
    col3 = colp.reshape(NW, CH, EC)

    deg = _deg_kernel(col3)[:, :N].T

    z1 = _tc1(deg, x, fc_W, fc_b.reshape(1, D), w1)
    s1 = _scatter_kernel(z1, row3, col3)[:, :N]
    z2 = _tc2(deg, s1, z1, b1.reshape(1, D), w2)
    s2 = _scatter_kernel(z2, row3, col3)[:, :N]

    esw2 = jnp.concatenate([es_W[:D], es_W[D:]], axis=1)
    esb2 = jnp.stack([es_b, jnp.zeros_like(es_b)]).reshape(1, 2)
    node_score, ab = _tc3(deg, s2, z2, b2.reshape(1, D), ns_W,
                          ns_b.reshape(1, 1), esw2, esb2)

    abp = jnp.pad(ab.T, ((0, 0), (0, NPAD - N)))
    es = _edge_kernel(abp, row3, col3)
    edge_score = es.reshape(-1)[:E].reshape(E, 1)
    return (edge_score, node_score)

# --- scband reference (transcript-rebuilt; emitter-appended) ---
"""Pipeline reference for scband-gcnmasker-36189394437069 (READ-ONLY COPY).

The authoritative reference and input builder live on the scoring server;
editing this copy changes nothing except your own understanding.
"""

import jax, jax.numpy as jnp
import numpy as np

N_NODES = 10000
N_EDGES = 320000
D = 128


def gcn_conv(x, row, col, W, b, n):
    # PyG-style GCNConv: linear transform, add self loops, symmetric normalization, scatter-add
    x = x @ W
    loop = jnp.arange(n, dtype=row.dtype)
    r = jnp.concatenate([row, loop])
    c = jnp.concatenate([col, loop])
    ones = jnp.ones(r.shape[0], dtype=x.dtype)
    deg = jnp.zeros(n, dtype=x.dtype).at[c].add(ones)
    dis = jnp.where(deg > 0, 1.0 / jnp.sqrt(deg), 0.0)
    norm = dis[r] * dis[c]
    out = jnp.zeros_like(x).at[c].add(norm[:, None] * x[r])
    return out + b


def setup_inputs(seed: int = 0) -> dict:
    key = jax.random.key(seed)
    ks = jax.random.split(key, 16)
    x = jax.random.normal(ks[0], (N_NODES, D), dtype=jnp.float32)
    edge_index = jax.random.randint(ks[1], (2, N_EDGES), 0, N_NODES, dtype=jnp.int64 if jax.config.jax_enable_x64 else jnp.int32)
    s = 1.0 / np.sqrt(D)
    fc_W = jax.random.uniform(ks[2], (D, D), jnp.float32, -s, s)
    fc_b = jax.random.uniform(ks[3], (D,), jnp.float32, -s, s)
    w1 = jax.random.uniform(ks[4], (D, D), jnp.float32, -s, s)
    b1 = jax.random.uniform(ks[5], (D,), jnp.float32, -s, s)
    w2 = jax.random.uniform(ks[6], (D, D), jnp.float32, -s, s)
    b2 = jax.random.uniform(ks[7], (D,), jnp.float32, -s, s)
    ns_W = jax.random.uniform(ks[8], (D, 1), jnp.float32, -s, s)
    ns_b = jax.random.uniform(ks[9], (1,), jnp.float32, -s, s)
    s2 = 1.0 / np.sqrt(2 * D)
    es_W = jax.random.uniform(ks[10], (2 * D, 1), jnp.float32, -s2, s2)
    es_b = jax.random.uniform(ks[11], (1,), jnp.float32, -s2, s2)
    return {"x": x, "edge_index": edge_index, "fc_W": fc_W, "fc_b": fc_b,
            "w1": w1, "b1": b1, "w2": w2, "b2": b2,
            "ns_W": ns_W, "ns_b": ns_b, "es_W": es_W, "es_b": es_b}


def reference(x, edge_index, fc_W, fc_b, w1, b1, w2, b2, ns_W, ns_b, es_W, es_b):
    n = x.shape[0]
    row, col = edge_index[0], edge_index[1]
    # dropout is identity in eval mode
    h = x @ fc_W + fc_b
    h = gcn_conv(h, row, col, w1, b1, n)
    h = jax.nn.relu(h)
    h = gcn_conv(h, row, col, w2, b2, n)
    h = jax.nn.relu(h)
    node_score = jax.nn.sigmoid(h @ ns_W + ns_b)
    edge_feat = jnp.concatenate([h[row], h[col]], axis=-1)
    edge_score = jax.nn.sigmoid(edge_feat @ es_W + es_b)
    return (edge_score, node_score)

if __name__ == "__main__":
    import jax
    _d = setup_inputs()
    print(jax.jit(kernel)(*tuple(_d.values())))

</pallas_src>

<mosaic_0001>
#map = affine_map<(d0, d1) -> (0, 0, 0)>
#map1 = affine_map<(d0, d1) -> (0, 0)>
module attributes {stable_mosaic.version = 14 : i64} {
  func.func @_deg_kernel(%arg0: i32, %arg1: i32, %arg2: memref<32x79x128xi32, #tpu.memory_space<hbm>>, %arg3: memref<2x10240xf32, #tpu.memory_space<hbm>>, %arg4: memref<79x128xi32, #tpu.memory_space<vmem>>, %arg5: memref<10240xf32, #tpu.memory_space<vmem>>, %arg6: memref<640xf32, #tpu.memory_space<vmem>>, %arg7: memref<640xf32, #tpu.memory_space<vmem>>, %arg8: memref<16x10240xf32, #tpu.memory_space<vmem_shared>>) attributes {dimension_semantics = [#tpu.dimension_semantics<core_parallel>, #tpu.dimension_semantics<subcore_parallel>], iteration_bounds = array<i64: 2, 16>, scalar_prefetch = 0 : i64, scratch_operands = 5 : i64, tpu.core_type = #tpu.core_type<sc_vector_subcore>, window_params = [{transform_indices = #map}, {transform_indices = #map1}]} {
    %mul3A = arith.constant 16 : i32
    %mul3A_0 = arith.muli %arg0, %mul3A : i32
    %add3A = arith.addi %mul3A_0, %arg1 : i32
    "tpu.region"() ({
      %run_scoped3A = tpu.sem_alloc : memref<!tpu.dma_semaphore, #tpu.memory_space<semaphore_mem>>
      %dma_start3A = arith.constant 0 : i32
      %dma_start3A_33 = arith.constant 0 : i32
      %dma_start3A_34 = tpu.memref_slice %arg2[%add3A, %dma_start3A, %dma_start3A_33] : memref<32x79x128xi32, #tpu.memory_space<hbm>> -> memref<1x79x128xi32, #tpu.memory_space<hbm>>
      %dma_start3A_35 = tpu.memref_squeeze %dma_start3A_34 : memref<1x79x128xi32, #tpu.memory_space<hbm>> -> memref<79x128xi32, #tpu.memory_space<hbm>>
      %dma_start3A_36 = arith.constant 0 : i32
      %dma_start3A_37 = arith.constant 0 : i32
      %dma_start3A_38 = tpu.memref_slice %arg2[%add3A, %dma_start3A_36, %dma_start3A_37] : memref<32x79x128xi32, #tpu.memory_space<hbm>> -> memref<1x79x128xi32, #tpu.memory_space<hbm>>
      %dma_start3A_39 = tpu.memref_squeeze %dma_start3A_38 : memref<1x79x128xi32, #tpu.memory_space<hbm>> -> memref<79x128xi32, #tpu.memory_space<hbm>>
      tpu.enqueue_dma source(%dma_start3A_39 : memref<79x128xi32, #tpu.memory_space<hbm>>) target(%arg4 : memref<79x128xi32, #tpu.memory_space<vmem>>) target_semaphore(%run_scoped3A : memref<!tpu.dma_semaphore, #tpu.memory_space<semaphore_mem>>)
      %dma_wait3A = arith.constant 0 : i32
      %dma_wait3A_40 = arith.constant 0 : i32
      %dma_wait3A_41 = tpu.memref_slice %arg2[%add3A, %dma_wait3A, %dma_wait3A_40] : memref<32x79x128xi32, #tpu.memory_space<hbm>> -> memref<1x79x128xi32, #tpu.memory_space<hbm>>
      %dma_wait3A_42 = tpu.memref_squeeze %dma_wait3A_41 : memref<1x79x128xi32, #tpu.memory_space<hbm>> -> memref<79x128xi32, #tpu.memory_space<hbm>>
      %dma_wait3A_43 = arith.constant 0 : i32
      %dma_wait3A_44 = arith.constant 0 : i32
      %dma_wait3A_45 = tpu.memref_slice %arg2[%add3A, %dma_wait3A_43, %dma_wait3A_44] : memref<32x79x128xi32, #tpu.memory_space<hbm>> -> memref<1x79x128xi32, #tpu.memory_space<hbm>>
      %dma_wait3A_46 = tpu.memref_squeeze %dma_wait3A_45 : memref<1x79x128xi32, #tpu.memory_space<hbm>> -> memref<79x128xi32, #tpu.memory_space<hbm>>
      tpu.wait_dma2 semaphore(%run_scoped3A : memref<!tpu.dma_semaphore, #tpu.memory_space<semaphore_mem>>) src(%dma_wait3A_46 : memref<79x128xi32, #tpu.memory_space<hbm>>) dst(%arg4 : memref<79x128xi32, #tpu.memory_space<vmem>>)
      tpu.yield
    }) : () -> ()
    %broadcast_in_dim3A = arith.constant 0.000000e+00 : f32
    %broadcast_in_dim3A_1 = vector.broadcast %broadcast_in_dim3A : f32 to vector<16xf32>
    %broadcast_in_dim3A_2 = arith.constant 1.000000e+00 : f32
    %broadcast_in_dim3A_3 = vector.broadcast %broadcast_in_dim3A_2 : f32 to vector<16xf32>
    %scan3A = arith.constant 0 : i32
    %scan3A_4 = arith.constant 0 : i32
    %scan3A_5 = arith.constant 640 : i32
    %scan3A_6 = arith.addi %scan3A_4, %scan3A_5 : i32
    %scan3A_7 = arith.constant 1 : i32
    %scan3A_8 = scf.for %scan3A_33 = %scan3A_4 to %scan3A_6 step %scan3A_7 iter_args(%scan3A_34 = %scan3A) -> (i32)  : i32 {
      %mul3A_35 = arith.constant 16 : i32
      %mul3A_36 = arith.muli %scan3A_33, %mul3A_35 : i32
      %swap3A = arith.index_cast %mul3A_36 : i32 to index
      %swap3A_37 = tpu.vector_load %arg5[%swap3A] {strides = array<i32>} : memref<10240xf32, #tpu.memory_space<vmem>>, vector<16xf32>,
      tpu.vector_store %arg5[%swap3A], %broadcast_in_dim3A_1 {strides = array<i32>} : memref<10240xf32, #tpu.memory_space<vmem>>, vector<16xf32>,
      %scan3A_38 = arith.constant 0 : i32
      scf.yield %scan3A_38 : i32
    }
    %scan3A_9 = arith.constant 640 : i32
    %scan3A_10 = arith.constant 0 : i32
    %scan3A_11 = arith.constant 0 : i32
    %scan3A_12 = arith.constant 632 : i32
    %scan3A_13 = arith.addi %scan3A_11, %scan3A_12 : i32
    %scan3A_14 = arith.constant 1 : i32
    %scan3A_15 = scf.for %scan3A_33 = %scan3A_11 to %scan3A_13 step %scan3A_14 iter_args(%scan3A_34 = %scan3A_10) -> (i32)  : i32 {
      %jit3A = arith.constant 8 : i32
      %div3A = arith.divsi %scan3A_33, %jit3A : i32
      %sign3A = arith.constant 0 : i32
      %sign3A_35 = arith.cmpi sgt, %scan3A_33, %sign3A : i32
      %sign3A_36 = arith.extui %sign3A_35 : i1 to i32
      %sign3A_37 = arith.constant 0 : i32
      %sign3A_38 = arith.cmpi slt, %scan3A_33, %sign3A_37 : i32
      %sign3A_39 = arith.extui %sign3A_38 : i1 to i32
      %sign3A_40 = arith.subi %sign3A_36, %sign3A_39 : i32
      %sign3A_41 = arith.constant 0 : i32
      %sign3A_42 = arith.cmpi sgt, %jit3A, %sign3A_41 : i32
      %sign3A_43 = arith.extui %sign3A_42 : i1 to i32
      %sign3A_44 = arith.constant 0 : i32
      %sign3A_45 = arith.cmpi slt, %jit3A, %sign3A_44 : i32
      %sign3A_46 = arith.extui %sign3A_45 : i1 to i32
      %sign3A_47 = arith.subi %sign3A_43, %sign3A_46 : i32
      %ne3A = arith.cmpi ne, %sign3A_40, %sign3A_47 : i32
      %rem3A = arith.remsi %scan3A_33, %jit3A : i32
      %ne3A_48 = arith.constant 0 : i32
      %ne3A_49 = arith.cmpi ne, %rem3A, %ne3A_48 : i32
      %and3A = arith.andi %ne3A, %ne3A_49 : i1
      %sub3A = arith.constant 1 : i32
      %sub3A_50 = arith.subi %div3A, %sub3A : i32
      %select_n3A = arith.select %and3A, %sub3A_50, %div3A : i32
      %jit3A_51 = arith.constant 8 : i32
      %eq3A = arith.constant 0 : i32
      %eq3A_52 = arith.cmpi eq, %jit3A_51, %eq3A : i32
      %jit3A_53 = arith.constant 1 : i32
      %select_n3A_54 = arith.select %eq3A_52, %jit3A_53, %jit3A_51 : i32
      %rem3A_55 = arith.remsi %scan3A_33, %select_n3A_54 : i32
      %ne3A_56 = arith.constant 0 : i32
      %ne3A_57 = arith.cmpi ne, %rem3A_55, %ne3A_56 : i32
      %lt3A = arith.constant 0 : i32
      %lt3A_58 = arith.cmpi slt, %rem3A_55, %lt3A : i32
      %lt3A_59 = arith.constant 0 : i32
      %lt3A_60 = arith.cmpi slt, %select_n3A_54, %lt3A_59 : i32
      %ne3A_61 = arith.xori %lt3A_58, %lt3A_60 : i1
      %and3A_62 = arith.andi %ne3A_61, %ne3A_57 : i1
      %add3A_63 = arith.addi %rem3A_55, %select_n3A_54 : i32
      %select_n3A_64 = arith.select %and3A_62, %add3A_63, %rem3A_55 : i32
      %mul3A_65 = arith.constant 16 : i32
      %mul3A_66 = arith.muli %select_n3A_64, %mul3A_65 : i32
      %get3A = arith.index_cast %select_n3A : i32 to index
      %get3A_67 = arith.index_cast %mul3A_66 : i32 to index
      %get3A_68 = tpu.vector_load %arg4[%get3A, %get3A_67] {strides = array<i32>} : memref<79x128xi32, #tpu.memory_space<vmem>>, vector<16xi32>,
      tpu.vector_store_idx %arg5[%get3A_68], %broadcast_in_dim3A_3 {add = true} : memref<10240xf32, #tpu.memory_space<vmem>>[vector<16xi32>], vector<16xf32>,
      %scan3A_69 = arith.constant 0 : i32
      scf.yield %scan3A_69 : i32
    }
    %scan3A_16 = arith.constant 632 : i32
    "tpu.region"() ({
      %run_scoped3A = tpu.sem_alloc : memref<!tpu.dma_semaphore, #tpu.memory_space<semaphore_mem>>
      %dma_start3A = arith.constant 0 : i32
      %dma_start3A_33 = tpu.memref_slice %arg8[%arg1, %dma_start3A] : memref<16x10240xf32, #tpu.memory_space<vmem_shared>> -> memref<1x10240xf32, #tpu.memory_space<vmem_shared>>
      %dma_start3A_34 = tpu.memref_squeeze %dma_start3A_33 : memref<1x10240xf32, #tpu.memory_space<vmem_shared>> -> memref<10240xf32, #tpu.memory_space<vmem_shared>>
      %dma_start3A_35 = arith.constant 0 : i32
      %dma_start3A_36 = tpu.memref_slice %arg8[%arg1, %dma_start3A_35] : memref<16x10240xf32, #tpu.memory_space<vmem_shared>> -> memref<1x10240xf32, #tpu.memory_space<vmem_shared>>
      %dma_start3A_37 = tpu.memref_squeeze %dma_start3A_36 : memref<1x10240xf32, #tpu.memory_space<vmem_shared>> -> memref<10240xf32, #tpu.memory_space<vmem_shared>>
      tpu.enqueue_dma source(%arg5 : memref<10240xf32, #tpu.memory_space<vmem>>) target(%dma_start3A_37 : memref<10240xf32, #tpu.memory_space<vmem_shared>>) target_semaphore(%run_scoped3A : memref<!tpu.dma_semaphore, #tpu.memory_space<semaphore_mem>>)
      %dma_wait3A = arith.constant 0 : i32
      %dma_wait3A_38 = tpu.memref_slice %arg8[%arg1, %dma_wait3A] : memref<16x10240xf32, #tpu.memory_space<vmem_shared>> -> memref<1x10240xf32, #tpu.memory_space<vmem_shared>>
      %dma_wait3A_39 = tpu.memref_squeeze %dma_wait3A_38 : memref<1x10240xf32, #tpu.memory_space<vmem_shared>> -> memref<10240xf32, #tpu.memory_space<vmem_shared>>
      %dma_wait3A_40 = arith.constant 0 : i32
      %dma_wait3A_41 = tpu.memref_slice %arg8[%arg1, %dma_wait3A_40] : memref<16x10240xf32, #tpu.memory_space<vmem_shared>> -> memref<1x10240xf32, #tpu.memory_space<vmem_shared>>
      %dma_wait3A_42 = tpu.memref_squeeze %dma_wait3A_41 : memref<1x10240xf32, #tpu.memory_space<vmem_shared>> -> memref<10240xf32, #tpu.memory_space<vmem_shared>>
      tpu.wait_dma2 semaphore(%run_scoped3A : memref<!tpu.dma_semaphore, #tpu.memory_space<semaphore_mem>>) src(%arg5 : memref<10240xf32, #tpu.memory_space<vmem>>) dst(%dma_wait3A_42 : memref<10240xf32, #tpu.memory_space<vmem_shared>>)
      tpu.yield
    }) : () -> ()
    %barrier3A = arith.constant 0 : index
    tpu.barrier barrier_id(%barrier3A)
    %mul3A_17 = arith.constant 640 : i32
    %mul3A_18 = arith.muli %arg1, %mul3A_17 : i32
    %scan3A_19 = arith.constant 0 : i32
    %scan3A_20 = arith.constant 0 : i32
    %scan3A_21 = arith.constant 40 : i32
    %scan3A_22 = arith.addi %scan3A_20, %scan3A_21 : i32
    %scan3A_23 = arith.constant 1 : i32
    %scan3A_24 = scf.for %scan3A_33 = %scan3A_20 to %scan3A_22 step %scan3A_23 iter_args(%scan3A_34 = %scan3A_19) -> (i32)  : i32 {
      %mul3A_35 = arith.constant 16 : i32
      %mul3A_36 = arith.muli %scan3A_33, %mul3A_35 : i32
      %swap3A = arith.index_cast %mul3A_36 : i32 to index
      %swap3A_37 = tpu.vector_load %arg7[%swap3A] {strides = array<i32>} : memref<640xf32, #tpu.memory_space<vmem>>, vector<16xf32>,
      tpu.vector_store %arg7[%swap3A], %broadcast_in_dim3A_1 {strides = array<i32>} : memref<640xf32, #tpu.memory_space<vmem>>, vector<16xf32>,
      %scan3A_38 = arith.constant 0 : i32
      scf.yield %scan3A_38 : i32
    }
    %scan3A_25 = arith.constant 40 : i32
    %scan3A_26 = arith.constant 0 : i32
    %scan3A_27 = arith.constant 0 : i32
    %scan3A_28 = arith.constant 16 : i32
    %scan3A_29 = arith.addi %scan3A_27, %scan3A_28 : i32
    %scan3A_30 = arith.constant 1 : i32
    %scan3A_31 = scf.for %scan3A_33 = %scan3A_27 to %scan3A_29 step %scan3A_30 iter_args(%scan3A_34 = %scan3A_26) -> (i32)  : i32 {
      "tpu.region"() ({
        %run_scoped3A = tpu.sem_alloc : memref<!tpu.dma_semaphore, #tpu.memory_space<semaphore_mem>>
        %dma_start3A = tpu.memref_slice %arg8[%scan3A_33, %mul3A_18] : memref<16x10240xf32, #tpu.memory_space<vmem_shared>> -> memref<1x640xf32, #tpu.memory_space<vmem_shared>>
        %dma_start3A_43 = tpu.memref_squeeze %dma_start3A : memref<1x640xf32, #tpu.memory_space<vmem_shared>> -> memref<640xf32, #tpu.memory_space<vmem_shared>>
        %dma_start3A_44 = tpu.memref_slice %arg8[%scan3A_33, %mul3A_18] : memref<16x10240xf32, #tpu.memory_space<vmem_shared>> -> memref<1x640xf32, #tpu.memory_space<vmem_shared>>
        %dma_start3A_45 = tpu.memref_squeeze %dma_start3A_44 : memref<1x640xf32, #tpu.memory_space<vmem_shared>> -> memref<640xf32, #tpu.memory_space<vmem_shared>>
        tpu.enqueue_dma source(%dma_start3A_45 : memref<640xf32, #tpu.memory_space<vmem_shared>>) target(%arg6 : memref<640xf32, #tpu.memory_space<vmem>>) target_semaphore(%run_scoped3A : memref<!tpu.dma_semaphore, #tpu.memory_space<semaphore_mem>>)
        %dma_wait3A = tpu.memref_slice %arg8[%scan3A_33, %mul3A_18] : memref<16x10240xf32, #tpu.memory_space<vmem_shared>> -> memref<1x640xf32, #tpu.memory_space<vmem_shared>>
        %dma_wait3A_46 = tpu.memref_squeeze %dma_wait3A : memref<1x640xf32, #tpu.memory_space<vmem_shared>> -> memref<640xf32, #tpu.memory_space<vmem_shared>>
        %dma_wait3A_47 = tpu.memref_slice %arg8[%scan3A_33, %mul3A_18] : memref<16x10240xf32, #tpu.memory_space<vmem_shared>> -> memref<1x640xf32, #tpu.memory_space<vmem_shared>>
        %dma_wait3A_48 = tpu.memref_squeeze %dma_wait3A_47 : memref<1x640xf32, #tpu.memory_space<vmem_shared>> -> memref<640xf32, #tpu.memory_space<vmem_shared>>
        tpu.wait_dma2 semaphore(%run_scoped3A : memref<!tpu.dma_semaphore, #tpu.memory_space<semaphore_mem>>) src(%dma_wait3A_48 : memref<640xf32, #tpu.memory_space<vmem_shared>>) dst(%arg6 : memref<640xf32, #tpu.memory_space<vmem>>)
        tpu.yield
      }) : () -> ()
      %scan3A_35 = arith.constant 0 : i32
      %scan3A_36 = arith.constant 0 : i32
      %scan3A_37 = arith.constant 40 : i32
      %scan3A_38 = arith.addi %scan3A_36, %scan3A_37 : i32
      %scan3A_39 = arith.constant 1 : i32
      %scan3A_40 = scf.for %scan3A_43 = %scan3A_36 to %scan3A_38 step %scan3A_39 iter_args(%scan3A_44 = %scan3A_35) -> (i32)  : i32 {
        %mul3A_45 = arith.constant 16 : i32
        %mul3A_46 = arith.muli %scan3A_43, %mul3A_45 : i32
        %get3A = arith.index_cast %mul3A_46 : i32 to index
        %get3A_47 = tpu.vector_load %arg7[%get3A] {strides = array<i32>} : memref<640xf32, #tpu.memory_space<vmem>>, vector<16xf32>,
        %mul3A_48 = arith.constant 16 : i32
        %mul3A_49 = arith.muli %scan3A_43, %mul3A_48 : i32
        %get3A_50 = arith.index_cast %mul3A_49 : i32 to index
        %get3A_51 = tpu.vector_load %arg6[%get3A_50] {strides = array<i32>} : memref<640xf32, #tpu.memory_space<vmem>>, vector<16xf32>,
        %add3A_52 = arith.addf %get3A_47, %get3A_51 : vector<16xf32>
        %swap3A = arith.index_cast %mul3A_46 : i32 to index
        %swap3A_53 = tpu.vector_load %arg7[%swap3A] {strides = array<i32>} : memref<640xf32, #tpu.memory_space<vmem>>, vector<16xf32>,
        tpu.vector_store %arg7[%swap3A], %add3A_52 {strides = array<i32>} : memref<640xf32, #tpu.memory_space<vmem>>, vector<16xf32>,
        %scan3A_54 = arith.constant 0 : i32
        scf.yield %scan3A_54 : i32
      }
      %scan3A_41 = arith.constant 40 : i32
      %scan3A_42 = arith.constant 0 : i32
      scf.yield %scan3A_42 : i32
    }
    %scan3A_32 = arith.constant 16 : i32
    "tpu.region"() ({
      %run_scoped3A = tpu.sem_alloc : memref<!tpu.dma_semaphore, #tpu.memory_space<semaphore_mem>>
      %dma_start3A = tpu.memref_slice %arg3[%arg0, %mul3A_18] : memref<2x10240xf32, #tpu.memory_space<hbm>> -> memref<1x640xf32, #tpu.memory_space<hbm>>
      %dma_start3A_33 = tpu.memref_squeeze %dma_start3A : memref<1x640xf32, #tpu.memory_space<hbm>> -> memref<640xf32, #tpu.memory_space<hbm>>
      %dma_start3A_34 = tpu.memref_slice %arg3[%arg0, %mul3A_18] : memref<2x10240xf32, #tpu.memory_space<hbm>> -> memref<1x640xf32, #tpu.memory_space<hbm>>
      %dma_start3A_35 = tpu.memref_squeeze %dma_start3A_34 : memref<1x640xf32, #tpu.memory_space<hbm>> -> memref<640xf32, #tpu.memory_space<hbm>>
      tpu.enqueue_dma source(%arg7 : memref<640xf32, #tpu.memory_space<vmem>>) target(%dma_start3A_35 : memref<640xf32, #tpu.memory_space<hbm>>) target_semaphore(%run_scoped3A : memref<!tpu.dma_semaphore, #tpu.memory_space<semaphore_mem>>)
      %dma_wait3A = tpu.memref_slice %arg3[%arg0, %mul3A_18] : memref<2x10240xf32, #tpu.memory_space<hbm>> -> memref<1x640xf32, #tpu.memory_space<hbm>>
      %dma_wait3A_36 = tpu.memref_squeeze %dma_wait3A : memref<1x640xf32, #tpu.memory_space<hbm>> -> memref<640xf32, #tpu.memory_space<hbm>>
      %dma_wait3A_37 = tpu.memref_slice %arg3[%arg0, %mul3A_18] : memref<2x10240xf32, #tpu.memory_space<hbm>> -> memref<1x640xf32, #tpu.memory_space<hbm>>
      %dma_wait3A_38 = tpu.memref_squeeze %dma_wait3A_37 : memref<1x640xf32, #tpu.memory_space<hbm>> -> memref<640xf32, #tpu.memory_space<hbm>>
      tpu.wait_dma2 semaphore(%run_scoped3A : memref<!tpu.dma_semaphore, #tpu.memory_space<semaphore_mem>>) src(%arg7 : memref<640xf32, #tpu.memory_space<vmem>>) dst(%dma_wait3A_38 : memref<640xf32, #tpu.memory_space<hbm>>)
      tpu.yield
    }) : () -> ()
    return
  }
}

#map = affine_map<(d0, d1) -> (0, 0)>
#map1 = affine_map<(d0, d1) -> (0, 0, 0)>
module attributes {stable_mosaic.version = 14 : i64} {
  func.func @_scatter_kernel(%arg0: i32, %arg1: i32, %arg2: memref<10000x128xf32, #tpu.memory_space<hbm>>, %arg3: memref<32x79x128xi32, #tpu.memory_space<hbm>>, %arg4: memref<32x79x128xi32, #tpu.memory_space<hbm>>, %arg5: memref<2x10240x128xf32, #tpu.memory_space<hbm>>, %arg6: memref<79x128xi32, #tpu.memory_space<vmem>>, %arg7: memref<79x128xi32, #tpu.memory_space<vmem>>, %arg8: memref<128x128xf32, #tpu.memory_space<vmem>>, %arg9: memref<10240x128xf32, #tpu.memory_space<vmem_shared>>, %arg10: memref<!tpu.dma_semaphore, #tpu.memory_space<semaphore_mem>>) attributes {dimension_semantics = [#tpu.dimension_semantics<core_parallel>, #tpu.dimension_semantics<subcore_parallel>], iteration_bounds = array<i64: 2, 16>, scalar_prefetch = 0 : i64, scratch_operands = 5 : i64, tpu.core_type = #tpu.core_type<sc_vector_subcore>, window_params = [{transform_indices = #map}, {transform_indices = #map1}, {transform_indices = #map1}, {transform_indices = #map1}]} {
    %mul3A = arith.constant 16 : i32
    %mul3A_0 = arith.muli %arg0, %mul3A : i32
    %add3A = arith.addi %mul3A_0, %arg1 : i32
    "tpu.region"() ({
      %run_scoped3A = tpu.sem_alloc : memref<!tpu.dma_semaphore, #tpu.memory_space<semaphore_mem>>
      %dma_start3A = arith.constant 0 : i32
      %dma_start3A_32 = arith.constant 0 : i32
      %dma_start3A_33 = tpu.memref_slice %arg3[%add3A, %dma_start3A, %dma_start3A_32] : memref<32x79x128xi32, #tpu.memory_space<hbm>> -> memref<1x79x128xi32, #tpu.memory_space<hbm>>
      %dma_start3A_34 = tpu.memref_squeeze %dma_start3A_33 : memref<1x79x128xi32, #tpu.memory_space<hbm>> -> memref<79x128xi32, #tpu.memory_space<hbm>>
      %dma_start3A_35 = arith.constant 0 : i32
      %dma_start3A_36 = arith.constant 0 : i32
      %dma_start3A_37 = tpu.memref_slice %arg3[%add3A, %dma_start3A_35, %dma_start3A_36] : memref<32x79x128xi32, #tpu.memory_space<hbm>> -> memref<1x79x128xi32, #tpu.memory_space<hbm>>
      %dma_start3A_38 = tpu.memref_squeeze %dma_start3A_37 : memref<1x79x128xi32, #tpu.memory_space<hbm>> -> memref<79x128xi32, #tpu.memory_space<hbm>>
      tpu.enqueue_dma source(%dma_start3A_38 : memref<79x128xi32, #tpu.memory_space<hbm>>) target(%arg6 : memref<79x128xi32, #tpu.memory_space<vmem>>) target_semaphore(%run_scoped3A : memref<!tpu.dma_semaphore, #tpu.memory_space<semaphore_mem>>)
      %dma_wait3A = arith.constant 0 : i32
      %dma_wait3A_39 = arith.constant 0 : i32
      %dma_wait3A_40 = tpu.memref_slice %arg3[%add3A, %dma_wait3A, %dma_wait3A_39] : memref<32x79x128xi32, #tpu.memory_space<hbm>> -> memref<1x79x128xi32, #tpu.memory_space<hbm>>
      %dma_wait3A_41 = tpu.memref_squeeze %dma_wait3A_40 : memref<1x79x128xi32, #tpu.memory_space<hbm>> -> memref<79x128xi32, #tpu.memory_space<hbm>>
      %dma_wait3A_42 = arith.constant 0 : i32
      %dma_wait3A_43 = arith.constant 0 : i32
      %dma_wait3A_44 = tpu.memref_slice %arg3[%add3A, %dma_wait3A_42, %dma_wait3A_43] : memref<32x79x128xi32, #tpu.memory_space<hbm>> -> memref<1x79x128xi32, #tpu.memory_space<hbm>>
      %dma_wait3A_45 = tpu.memref_squeeze %dma_wait3A_44 : memref<1x79x128xi32, #tpu.memory_space<hbm>> -> memref<79x128xi32, #tpu.memory_space<hbm>>
      tpu.wait_dma2 semaphore(%run_scoped3A : memref<!tpu.dma_semaphore, #tpu.memory_space<semaphore_mem>>) src(%dma_wait3A_45 : memref<79x128xi32, #tpu.memory_space<hbm>>) dst(%arg6 : memref<79x128xi32, #tpu.memory_space<vmem>>)
      tpu.yield
    }) : () -> ()
    "tpu.region"() ({
      %run_scoped3A = tpu.sem_alloc : memref<!tpu.dma_semaphore, #tpu.memory_space<semaphore_mem>>
      %dma_start3A = arith.constant 0 : i32
      %dma_start3A_32 = arith.constant 0 : i32
      %dma_start3A_33 = tpu.memref_slice %arg4[%add3A, %dma_start3A, %dma_start3A_32] : memref<32x79x128xi32, #tpu.memory_space<hbm>> -> memref<1x79x128xi32, #tpu.memory_space<hbm>>
      %dma_start3A_34 = tpu.memref_squeeze %dma_start3A_33 : memref<1x79x128xi32, #tpu.memory_space<hbm>> -> memref<79x128xi32, #tpu.memory_space<hbm>>
      %dma_start3A_35 = arith.constant 0 : i32
      %dma_start3A_36 = arith.constant 0 : i32
      %dma_start3A_37 = tpu.memref_slice %arg4[%add3A, %dma_start3A_35, %dma_start3A_36] : memref<32x79x128xi32, #tpu.memory_space<hbm>> -> memref<1x79x128xi32, #tpu.memory_space<hbm>>
      %dma_start3A_38 = tpu.memref_squeeze %dma_start3A_37 : memref<1x79x128xi32, #tpu.memory_space<hbm>> -> memref<79x128xi32, #tpu.memory_space<hbm>>
      tpu.enqueue_dma source(%dma_start3A_38 : memref<79x128xi32, #tpu.memory_space<hbm>>) target(%arg7 : memref<79x128xi32, #tpu.memory_space<vmem>>) target_semaphore(%run_scoped3A : memref<!tpu.dma_semaphore, #tpu.memory_space<semaphore_mem>>)
      %dma_wait3A = arith.constant 0 : i32
      %dma_wait3A_39 = arith.constant 0 : i32
      %dma_wait3A_40 = tpu.memref_slice %arg4[%add3A, %dma_wait3A, %dma_wait3A_39] : memref<32x79x128xi32, #tpu.memory_space<hbm>> -> memref<1x79x128xi32, #tpu.memory_space<hbm>>
      %dma_wait3A_41 = tpu.memref_squeeze %dma_wait3A_40 : memref<1x79x128xi32, #tpu.memory_space<hbm>> -> memref<79x128xi32, #tpu.memory_space<hbm>>
      %dma_wait3A_42 = arith.constant 0 : i32
      %dma_wait3A_43 = arith.constant 0 : i32
      %dma_wait3A_44 = tpu.memref_slice %arg4[%add3A, %dma_wait3A_42, %dma_wait3A_43] : memref<32x79x128xi32, #tpu.memory_space<hbm>> -> memref<1x79x128xi32, #tpu.memory_space<hbm>>
      %dma_wait3A_45 = tpu.memref_squeeze %dma_wait3A_44 : memref<1x79x128xi32, #tpu.memory_space<hbm>> -> memref<79x128xi32, #tpu.memory_space<hbm>>
      tpu.wait_dma2 semaphore(%run_scoped3A : memref<!tpu.dma_semaphore, #tpu.memory_space<semaphore_mem>>) src(%dma_wait3A_45 : memref<79x128xi32, #tpu.memory_space<hbm>>) dst(%arg7 : memref<79x128xi32, #tpu.memory_space<vmem>>)
      tpu.yield
    }) : () -> ()
    %broadcast_in_dim3A = arith.constant 0.000000e+00 : f32
    %broadcast_in_dim3A_1 = vector.broadcast %broadcast_in_dim3A : f32 to vector<16xf32>
    %scan3A = arith.constant 0 : i32
    %scan3A_2 = arith.constant 0 : i32
    %scan3A_3 = arith.constant 1024 : i32
    %scan3A_4 = arith.addi %scan3A_2, %scan3A_3 : i32
    %scan3A_5 = arith.constant 1 : i32
    %scan3A_6 = scf.for %scan3A_32 = %scan3A_2 to %scan3A_4 step %scan3A_5 iter_args(%scan3A_33 = %scan3A) -> (i32)  : i32 {
      %jit3A = arith.constant 8 : i32
      %div3A = arith.divsi %scan3A_32, %jit3A : i32
      %sign3A = arith.constant 0 : i32
      %sign3A_34 = arith.cmpi sgt, %scan3A_32, %sign3A : i32
      %sign3A_35 = arith.extui %sign3A_34 : i1 to i32
      %sign3A_36 = arith.constant 0 : i32
      %sign3A_37 = arith.cmpi slt, %scan3A_32, %sign3A_36 : i32
      %sign3A_38 = arith.extui %sign3A_37 : i1 to i32
      %sign3A_39 = arith.subi %sign3A_35, %sign3A_38 : i32
      %sign3A_40 = arith.constant 0 : i32
      %sign3A_41 = arith.cmpi sgt, %jit3A, %sign3A_40 : i32
      %sign3A_42 = arith.extui %sign3A_41 : i1 to i32
      %sign3A_43 = arith.constant 0 : i32
      %sign3A_44 = arith.cmpi slt, %jit3A, %sign3A_43 : i32
      %sign3A_45 = arith.extui %sign3A_44 : i1 to i32
      %sign3A_46 = arith.subi %sign3A_42, %sign3A_45 : i32
      %ne3A = arith.cmpi ne, %sign3A_39, %sign3A_46 : i32
      %rem3A = arith.remsi %scan3A_32, %jit3A : i32
      %ne3A_47 = arith.constant 0 : i32
      %ne3A_48 = arith.cmpi ne, %rem3A, %ne3A_47 : i32
      %and3A = arith.andi %ne3A, %ne3A_48 : i1
      %sub3A = arith.constant 1 : i32
      %sub3A_49 = arith.subi %div3A, %sub3A : i32
      %select_n3A = arith.select %and3A, %sub3A_49, %div3A : i32
      %jit3A_50 = arith.constant 8 : i32
      %eq3A = arith.constant 0 : i32
      %eq3A_51 = arith.cmpi eq, %jit3A_50, %eq3A : i32
      %jit3A_52 = arith.constant 1 : i32
      %select_n3A_53 = arith.select %eq3A_51, %jit3A_52, %jit3A_50 : i32
      %rem3A_54 = arith.remsi %scan3A_32, %select_n3A_53 : i32
      %ne3A_55 = arith.constant 0 : i32
      %ne3A_56 = arith.cmpi ne, %rem3A_54, %ne3A_55 : i32
      %lt3A = arith.constant 0 : i32
      %lt3A_57 = arith.cmpi slt, %rem3A_54, %lt3A : i32
      %lt3A_58 = arith.constant 0 : i32
      %lt3A_59 = arith.cmpi slt, %select_n3A_53, %lt3A_58 : i32
      %ne3A_60 = arith.xori %lt3A_57, %lt3A_59 : i1
      %and3A_61 = arith.andi %ne3A_60, %ne3A_56 : i1
      %add3A_62 = arith.addi %rem3A_54, %select_n3A_53 : i32
      %select_n3A_63 = arith.select %and3A_61, %add3A_62, %rem3A_54 : i32
      %mul3A_64 = arith.constant 16 : i32
      %mul3A_65 = arith.muli %select_n3A_63, %mul3A_64 : i32
      %swap3A = arith.index_cast %select_n3A : i32 to index
      %swap3A_66 = arith.index_cast %mul3A_65 : i32 to index
      %swap3A_67 = tpu.vector_load %arg8[%swap3A, %swap3A_66] {strides = array<i32>} : memref<128x128xf32, #tpu.memory_space<vmem>>, vector<16xf32>,
      tpu.vector_store %arg8[%swap3A, %swap3A_66], %broadcast_in_dim3A_1 {strides = array<i32>} : memref<128x128xf32, #tpu.memory_space<vmem>>, vector<16xf32>,
      %scan3A_68 = arith.constant 0 : i32
      scf.yield %scan3A_68 : i32
    }
    %scan3A_7 = arith.constant 1024 : i32
    %mul3A_8 = arith.constant 640 : i32
    %mul3A_9 = arith.muli %arg1, %mul3A_8 : i32
    %scan3A_10 = arith.constant 0 : i32
    %scan3A_11 = arith.constant 0 : i32
    %scan3A_12 = arith.constant 5 : i32
    %scan3A_13 = arith.addi %scan3A_11, %scan3A_12 : i32
    %scan3A_14 = arith.constant 1 : i32
    %scan3A_15 = scf.for %scan3A_32 = %scan3A_11 to %scan3A_13 step %scan3A_14 iter_args(%scan3A_33 = %scan3A_10) -> (i32)  : i32 {
      %mul3A_34 = arith.constant 128 : i32
      %mul3A_35 = arith.muli %scan3A_32, %mul3A_34 : i32
      %add3A_36 = arith.addi %mul3A_9, %mul3A_35 : i32
      "tpu.region"() ({
        %run_scoped3A = tpu.sem_alloc : memref<!tpu.dma_semaphore, #tpu.memory_space<semaphore_mem>>
        %dma_start3A = arith.constant 0 : i32
        %dma_start3A_38 = arith.constant 0 : i32
        %dma_start3A_39 = tpu.memref_slice %arg8[%dma_start3A, %dma_start3A_38] : memref<128x128xf32, #tpu.memory_space<vmem>> -> memref<128x128xf32, #tpu.memory_space<vmem>>
        %dma_start3A_40 = arith.constant 0 : i32
        %dma_start3A_41 = tpu.memref_slice %arg9[%add3A_36, %dma_start3A_40] : memref<10240x128xf32, #tpu.memory_space<vmem_shared>> -> memref<128x128xf32, #tpu.memory_space<vmem_shared>>
        %dma_start3A_42 = arith.constant 0 : i32
        %dma_start3A_43 = tpu.memref_slice %arg9[%add3A_36, %dma_start3A_42] : memref<10240x128xf32, #tpu.memory_space<vmem_shared>> -> memref<128x128xf32, #tpu.memory_space<vmem_shared>>
        %dma_start3A_44 = arith.constant 0 : i32
        %dma_start3A_45 = arith.constant 0 : i32
        %dma_start3A_46 = tpu.memref_slice %arg8[%dma_start3A_44, %dma_start3A_45] : memref<128x128xf32, #tpu.memory_space<vmem>> -> memref<128x128xf32, #tpu.memory_space<vmem>>
        tpu.enqueue_dma source(%dma_start3A_46 : memref<128x128xf32, #tpu.memory_space<vmem>>) target(%dma_start3A_43 : memref<128x128xf32, #tpu.memory_space<vmem_shared>>) target_semaphore(%run_scoped3A : memref<!tpu.dma_semaphore, #tpu.memory_space<semaphore_mem>>)
        %dma_wait3A = arith.constant 0 : i32
        %dma_wait3A_47 = arith.constant 0 : i32
        %dma_wait3A_48 = tpu.memref_slice %arg8[%dma_wait3A, %dma_wait3A_47] : memref<128x128xf32, #tpu.memory_space<vmem>> -> memref<128x128xf32, #tpu.memory_space<vmem>>
        %dma_wait3A_49 = arith.constant 0 : i32
        %dma_wait3A_50 = tpu.memref_slice %arg9[%add3A_36, %dma_wait3A_49] : memref<10240x128xf32, #tpu.memory_space<vmem_shared>> -> memref<128x128xf32, #tpu.memory_space<vmem_shared>>
        %dma_wait3A_51 = arith.constant 0 : i32
        %dma_wait3A_52 = tpu.memref_slice %arg9[%add3A_36, %dma_wait3A_51] : memref<10240x128xf32, #tpu.memory_space<vmem_shared>> -> memref<128x128xf32, #tpu.memory_space<vmem_shared>>
        %dma_wait3A_53 = arith.constant 0 : i32
        %dma_wait3A_54 = arith.constant 0 : i32
        %dma_wait3A_55 = tpu.memref_slice %arg8[%dma_wait3A_53, %dma_wait3A_54] : memref<128x128xf32, #tpu.memory_space<vmem>> -> memref<128x128xf32, #tpu.memory_space<vmem>>
        tpu.wait_dma2 semaphore(%run_scoped3A : memref<!tpu.dma_semaphore, #tpu.memory_space<semaphore_mem>>) src(%dma_wait3A_55 : memref<128x128xf32, #tpu.memory_space<vmem>>) dst(%dma_wait3A_52 : memref<128x128xf32, #tpu.memory_space<vmem_shared>>)
        tpu.yield
      }) : () -> ()
      %scan3A_37 = arith.constant 0 : i32
      scf.yield %scan3A_37 : i32
    }
    %scan3A_16 = arith.constant 5 : i32
    %barrier3A = arith.constant 0 : index
    tpu.barrier barrier_id(%barrier3A)
    %scan3A_17 = arith.constant 0 : i32
    %scan3A_18 = arith.constant 0 : i32
    %scan3A_19 = arith.constant 79 : i32
    %scan3A_20 = arith.addi %scan3A_18, %scan3A_19 : i32
    %scan3A_21 = arith.constant 1 : i32
    %scan3A_22 = scf.for %scan3A_32 = %scan3A_18 to %scan3A_20 step %scan3A_21 iter_args(%scan3A_33 = %scan3A_17) -> (i32)  : i32 {
      %dma_start3A = arith.constant 0 : i32
      %dma_start3A_34 = tpu.memref_slice %arg6[%scan3A_32, %dma_start3A] : memref<79x128xi32, #tpu.memory_space<vmem>> -> memref<1x128xi32, #tpu.memory_space<vmem>>
      %dma_start3A_35 = tpu.memref_squeeze %dma_start3A_34 : memref<1x128xi32, #tpu.memory_space<vmem>> -> memref<128xi32, #tpu.memory_space<vmem>>
      %dma_start3A_36 = arith.constant 0 : i32
      %dma_start3A_37 = arith.constant 0 : i32
      %dma_start3A_38 = tpu.memref_slice %arg2[%dma_start3A_36, %dma_start3A_37] : memref<10000x128xf32, #tpu.memory_space<hbm>> -> memref<10000x128xf32, #tpu.memory_space<hbm>>
      tpu.enqueue_indirect_dma source(%dma_start3A_38 : memref<10000x128xf32, #tpu.memory_space<hbm>>) target(%arg8 : memref<128x128xf32, #tpu.memory_space<vmem>>) offsets(%dma_start3A_35 : memref<128xi32, #tpu.memory_space<vmem>>) semaphore(%arg10 : memref<!tpu.dma_semaphore, #tpu.memory_space<semaphore_mem>>)
      %dma_wait3A = arith.constant 0 : i32
      %dma_wait3A_39 = tpu.memref_slice %arg6[%scan3A_32, %dma_wait3A] : memref<79x128xi32, #tpu.memory_space<vmem>> -> memref<1x128xi32, #tpu.memory_space<vmem>>
      %dma_wait3A_40 = tpu.memref_squeeze %dma_wait3A_39 : memref<1x128xi32, #tpu.memory_space<vmem>> -> memref<128xi32, #tpu.memory_space<vmem>>
      %dma_wait3A_41 = arith.constant 0 : i32
      %dma_wait3A_42 = arith.constant 0 : i32
      %dma_wait3A_43 = tpu.memref_slice %arg2[%dma_wait3A_41, %dma_wait3A_42] : memref<10000x128xf32, #tpu.memory_space<hbm>> -> memref<10000x128xf32, #tpu.memory_space<hbm>>
      tpu.wait_indirect_dma semaphore(%arg10 : memref<!tpu.dma_semaphore, #tpu.memory_space<semaphore_mem>>) src(%dma_wait3A_43 : memref<10000x128xf32, #tpu.memory_space<hbm>>) dst(%arg8 : memref<128x128xf32, #tpu.memory_space<vmem>>)
      "tpu.region"() ({
        %run_scoped3A = tpu.sem_alloc : memref<!tpu.dma_semaphore, #tpu.memory_space<semaphore_mem>>
        %dma_start3A_45 = arith.constant 0 : i32
        %dma_start3A_46 = tpu.memref_slice %arg7[%scan3A_32, %dma_start3A_45] : memref<79x128xi32, #tpu.memory_space<vmem>> -> memref<1x128xi32, #tpu.memory_space<vmem>>
        %dma_start3A_47 = tpu.memref_squeeze %dma_start3A_46 : memref<1x128xi32, #tpu.memory_space<vmem>> -> memref<128xi32, #tpu.memory_space<vmem>>
        %dma_start3A_48 = arith.constant 0 : i32
        %dma_start3A_49 = arith.constant 0 : i32
        %dma_start3A_50 = tpu.memref_slice %arg9[%dma_start3A_48, %dma_start3A_49] : memref<10240x128xf32, #tpu.memory_space<vmem_shared>> -> memref<10240x128xf32, #tpu.memory_space<vmem_shared>>
        tpu.enqueue_indirect_dma source(%arg8 : memref<128x128xf32, #tpu.memory_space<vmem>>) target(%dma_start3A_50 : memref<10240x128xf32, #tpu.memory_space<vmem_shared>>) offsets(%dma_start3A_47 : memref<128xi32, #tpu.memory_space<vmem>>) semaphore(%run_scoped3A : memref<!tpu.dma_semaphore, #tpu.memory_space<semaphore_mem>>) {add = true}
        %dma_wait3A_51 = arith.constant 0 : i32
        %dma_wait3A_52 = tpu.memref_slice %arg7[%scan3A_32, %dma_wait3A_51] : memref<79x128xi32, #tpu.memory_space<vmem>> -> memref<1x128xi32, #tpu.memory_space<vmem>>
        %dma_wait3A_53 = tpu.memref_squeeze %dma_wait3A_52 : memref<1x128xi32, #tpu.memory_space<vmem>> -> memref<128xi32, #tpu.memory_space<vmem>>
        %dma_wait3A_54 = arith.constant 0 : i32
        %dma_wait3A_55 = arith.constant 0 : i32
        %dma_wait3A_56 = tpu.memref_slice %arg9[%dma_wait3A_54, %dma_wait3A_55] : memref<10240x128xf32, #tpu.memory_space<vmem_shared>> -> memref<10240x128xf32, #tpu.memory_space<vmem_shared>>
        tpu.wait_indirect_dma semaphore(%run_scoped3A : memref<!tpu.dma_semaphore, #tpu.memory_space<semaphore_mem>>) src(%arg8 : memref<128x128xf32, #tpu.memory_space<vmem>>) dst(%dma_wait3A_56 : memref<10240x128xf32, #tpu.memory_space<vmem_shared>>)
        tpu.yield
      }) : () -> ()
      %scan3A_44 = arith.constant 0 : i32
      scf.yield %scan3A_44 : i32
    }
    %scan3A_23 = arith.constant 79 : i32
    %barrier3A_24 = arith.constant 0 : index
    tpu.barrier barrier_id(%barrier3A_24)
    %scan3A_25 = arith.constant 0 : i32
    %scan3A_26 = arith.constant 0 : i32
    %scan3A_27 = arith.constant 5 : i32
    %scan3A_28 = arith.addi %scan3A_26, %scan3A_27 : i32
    %scan3A_29 = arith.constant 1 : i32
    %scan3A_30 = scf.for %scan3A_32 = %scan3A_26 to %scan3A_28 step %scan3A_29 iter_args(%scan3A_33 = %scan3A_25) -> (i32)  : i32 {
      %mul3A_34 = arith.constant 128 : i32
      %mul3A_35 = arith.muli %scan3A_32, %mul3A_34 : i32
      %add3A_36 = arith.addi %mul3A_9, %mul3A_35 : i32
      "tpu.region"() ({
        %run_scoped3A = tpu.sem_alloc : memref<!tpu.dma_semaphore, #tpu.memory_space<semaphore_mem>>
        %dma_start3A = arith.constant 0 : i32
        %dma_start3A_38 = arith.constant 0 : i32
        %dma_start3A_39 = tpu.memref_slice %arg8[%dma_start3A, %dma_start3A_38] : memref<128x128xf32, #tpu.memory_space<vmem>> -> memref<128x128xf32, #tpu.memory_space<vmem>>
        %dma_start3A_40 = arith.constant 0 : i32
        %dma_start3A_41 = tpu.memref_slice %arg9[%add3A_36, %dma_start3A_40] : memref<10240x128xf32, #tpu.memory_space<vmem_shared>> -> memref<128x128xf32, #tpu.memory_space<vmem_shared>>
        %dma_start3A_42 = arith.constant 0 : i32
        %dma_start3A_43 = arith.constant 0 : i32
        %dma_start3A_44 = tpu.memref_slice %arg8[%dma_start3A_42, %dma_start3A_43] : memref<128x128xf32, #tpu.memory_space<vmem>> -> memref<128x128xf32, #tpu.memory_space<vmem>>
        %dma_start3A_45 = arith.constant 0 : i32
        %dma_start3A_46 = tpu.memref_slice %arg9[%add3A_36, %dma_start3A_45] : memref<10240x128xf32, #tpu.memory_space<vmem_shared>> -> memref<128x128xf32, #tpu.memory_space<vmem_shared>>
        tpu.enqueue_dma source(%dma_start3A_46 : memref<128x128xf32, #tpu.memory_space<vmem_shared>>) target(%dma_start3A_44 : memref<128x128xf32, #tpu.memory_space<vmem>>) target_semaphore(%run_scoped3A : memref<!tpu.dma_semaphore, #tpu.memory_space<semaphore_mem>>)
        %dma_wait3A = arith.constant 0 : i32
        %dma_wait3A_47 = arith.constant 0 : i32
        %dma_wait3A_48 = tpu.memref_slice %arg8[%dma_wait3A, %dma_wait3A_47] : memref<128x128xf32, #tpu.memory_space<vmem>> -> memref<128x128xf32, #tpu.memory_space<vmem>>
        %dma_wait3A_49 = arith.constant 0 : i32
        %dma_wait3A_50 = tpu.memref_slice %arg9[%add3A_36, %dma_wait3A_49] : memref<10240x128xf32, #tpu.memory_space<vmem_shared>> -> memref<128x128xf32, #tpu.memory_space<vmem_shared>>
        %dma_wait3A_51 = arith.constant 0 : i32
        %dma_wait3A_52 = arith.constant 0 : i32
        %dma_wait3A_53 = tpu.memref_slice %arg8[%dma_wait3A_51, %dma_wait3A_52] : memref<128x128xf32, #tpu.memory_space<vmem>> -> memref<128x128xf32, #tpu.memory_space<vmem>>
        %dma_wait3A_54 = arith.constant 0 : i32
        %dma_wait3A_55 = tpu.memref_slice %arg9[%add3A_36, %dma_wait3A_54] : memref<10240x128xf32, #tpu.memory_space<vmem_shared>> -> memref<128x128xf32, #tpu.memory_space<vmem_shared>>
        tpu.wait_dma2 semaphore(%run_scoped3A : memref<!tpu.dma_semaphore, #tpu.memory_space<semaphore_mem>>) src(%dma_wait3A_55 : memref<128x128xf32, #tpu.memory_space<vmem_shared>>) dst(%dma_wait3A_53 : memref<128x128xf32, #tpu.memory_space<vmem>>)
        tpu.yield
      }) : () -> ()
      "tpu.region"() ({
        %run_scoped3A = tpu.sem_alloc : memref<!tpu.dma_semaphore, #tpu.memory_space<semaphore_mem>>
        %dma_start3A = arith.constant 0 : i32
        %dma_start3A_38 = arith.constant 0 : i32
        %dma_start3A_39 = tpu.memref_slice %arg8[%dma_start3A, %dma_start3A_38] : memref<128x128xf32, #tpu.memory_space<vmem>> -> memref<128x128xf32, #tpu.memory_space<vmem>>
        %dma_start3A_40 = arith.constant 0 : i32
        %dma_start3A_41 = tpu.memref_slice %arg5[%arg0, %add3A_36, %dma_start3A_40] : memref<2x10240x128xf32, #tpu.memory_space<hbm>> -> memref<1x128x128xf32, #tpu.memory_space<hbm>>
        %dma_start3A_42 = tpu.memref_squeeze %dma_start3A_41 : memref<1x128x128xf32, #tpu.memory_space<hbm>> -> memref<128x128xf32, #tpu.memory_space<hbm>>
        %dma_start3A_43 = arith.constant 0 : i32
        %dma_start3A_44 = tpu.memref_slice %arg5[%arg0, %add3A_36, %dma_start3A_43] : memref<2x10240x128xf32, #tpu.memory_space<hbm>> -> memref<1x128x128xf32, #tpu.memory_space<hbm>>
        %dma_start3A_45 = tpu.memref_squeeze %dma_start3A_44 : memref<1x128x128xf32, #tpu.memory_space<hbm>> -> memref<128x128xf32, #tpu.memory_space<hbm>>
        %dma_start3A_46 = arith.constant 0 : i32
        %dma_start3A_47 = arith.constant 0 : i32
        %dma_start3A_48 = tpu.memref_slice %arg8[%dma_start3A_46, %dma_start3A_47] : memref<128x128xf32, #tpu.memory_space<vmem>> -> memref<128x128xf32, #tpu.memory_space<vmem>>
        tpu.enqueue_dma source(%dma_start3A_48 : memref<128x128xf32, #tpu.memory_space<vmem>>) target(%dma_start3A_45 : memref<128x128xf32, #tpu.memory_space<hbm>>) target_semaphore(%run_scoped3A : memref<!tpu.dma_semaphore, #tpu.memory_space<semaphore_mem>>)
        %dma_wait3A = arith.constant 0 : i32
        %dma_wait3A_49 = arith.constant 0 : i32
        %dma_wait3A_50 = tpu.memref_slice %arg8[%dma_wait3A, %dma_wait3A_49] : memref<128x128xf32, #tpu.memory_space<vmem>> -> memref<128x128xf32, #tpu.memory_space<vmem>>
        %dma_wait3A_51 = arith.constant 0 : i32
        %dma_wait3A_52 = tpu.memref_slice %arg5[%arg0, %add3A_36, %dma_wait3A_51] : memref<2x10240x128xf32, #tpu.memory_space<hbm>> -> memref<1x128x128xf32, #tpu.memory_space<hbm>>
        %dma_wait3A_53 = tpu.memref_squeeze %dma_wait3A_52 : memref<1x128x128xf32, #tpu.memory_space<hbm>> -> memref<128x128xf32, #tpu.memory_space<hbm>>
        %dma_wait3A_54 = arith.constant 0 : i32
        %dma_wait3A_55 = tpu.memref_slice %arg5[%arg0, %add3A_36, %dma_wait3A_54] : memref<2x10240x128xf32, #tpu.memory_space<hbm>> -> memref<1x128x128xf32, #tpu.memory_space<hbm>>
        %dma_wait3A_56 = tpu.memref_squeeze %dma_wait3A_55 : memref<1x128x128xf32, #tpu.memory_space<hbm>> -> memref<128x128xf32, #tpu.memory_space<hbm>>
        %dma_wait3A_57 = arith.constant 0 : i32
        %dma_wait3A_58 = arith.constant 0 : i32
        %dma_wait3A_59 = tpu.memref_slice %arg8[%dma_wait3A_57, %dma_wait3A_58] : memref<128x128xf32, #tpu.memory_space<vmem>> -> memref<128x128xf32, #tpu.memory_space<vmem>>
        tpu.wait_dma2 semaphore(%run_scoped3A : memref<!tpu.dma_semaphore, #tpu.memory_space<semaphore_mem>>) src(%dma_wait3A_59 : memref<128x128xf32, #tpu.memory_space<vmem>>) dst(%dma_wait3A_56 : memref<128x128xf32, #tpu.memory_space<hbm>>)
        tpu.yield
      }) : () -> ()
      %scan3A_37 = arith.constant 0 : i32
      scf.yield %scan3A_37 : i32
    }
    %scan3A_31 = arith.constant 5 : i32
    return
  }
}

#map = affine_map<(d0, d1) -> (0, 0)>
#map1 = affine_map<(d0, d1) -> (0, 0, 0)>
module attributes {stable_mosaic.version = 14 : i64} {
  func.func @_scatter_kernel(%arg0: i32, %arg1: i32, %arg2: memref<10000x128xf32, #tpu.memory_space<hbm>>, %arg3: memref<32x79x128xi32, #tpu.memory_space<hbm>>, %arg4: memref<32x79x128xi32, #tpu.memory_space<hbm>>, %arg5: memref<2x10240x128xf32, #tpu.memory_space<hbm>>, %arg6: memref<79x128xi32, #tpu.memory_space<vmem>>, %arg7: memref<79x128xi32, #tpu.memory_space<vmem>>, %arg8: memref<128x128xf32, #tpu.memory_space<vmem>>, %arg9: memref<10240x128xf32, #tpu.memory_space<vmem_shared>>, %arg10: memref<!tpu.dma_semaphore, #tpu.memory_space<semaphore_mem>>) attributes {dimension_semantics = [#tpu.dimension_semantics<core_parallel>, #tpu.dimension_semantics<subcore_parallel>], iteration_bounds = array<i64: 2, 16>, scalar_prefetch = 0 : i64, scratch_operands = 5 : i64, tpu.core_type = #tpu.core_type<sc_vector_subcore>, window_params = [{transform_indices = #map}, {transform_indices = #map1}, {transform_indices = #map1}, {transform_indices = #map1}]} {
    %mul3A = arith.constant 16 : i32
    %mul3A_0 = arith.muli %arg0, %mul3A : i32
    %add3A = arith.addi %mul3A_0, %arg1 : i32
    "tpu.region"() ({
      %run_scoped3A = tpu.sem_alloc : memref<!tpu.dma_semaphore, #tpu.memory_space<semaphore_mem>>
      %dma_start3A = arith.constant 0 : i32
      %dma_start3A_32 = arith.constant 0 : i32
      %dma_start3A_33 = tpu.memref_slice %arg3[%add3A, %dma_start3A, %dma_start3A_32] : memref<32x79x128xi32, #tpu.memory_space<hbm>> -> memref<1x79x128xi32, #tpu.memory_space<hbm>>
      %dma_start3A_34 = tpu.memref_squeeze %dma_start3A_33 : memref<1x79x128xi32, #tpu.memory_space<hbm>> -> memref<79x128xi32, #tpu.memory_space<hbm>>
      %dma_start3A_35 = arith.constant 0 : i32
      %dma_start3A_36 = arith.constant 0 : i32
      %dma_start3A_37 = tpu.memref_slice %arg3[%add3A, %dma_start3A_35, %dma_start3A_36] : memref<32x79x128xi32, #tpu.memory_space<hbm>> -> memref<1x79x128xi32, #tpu.memory_space<hbm>>
      %dma_start3A_38 = tpu.memref_squeeze %dma_start3A_37 : memref<1x79x128xi32, #tpu.memory_space<hbm>> -> memref<79x128xi32, #tpu.memory_space<hbm>>
      tpu.enqueue_dma source(%dma_start3A_38 : memref<79x128xi32, #tpu.memory_space<hbm>>) target(%arg6 : memref<79x128xi32, #tpu.memory_space<vmem>>) target_semaphore(%run_scoped3A : memref<!tpu.dma_semaphore, #tpu.memory_space<semaphore_mem>>)
      %dma_wait3A = arith.constant 0 : i32
      %dma_wait3A_39 = arith.constant 0 : i32
      %dma_wait3A_40 = tpu.memref_slice %arg3[%add3A, %dma_wait3A, %dma_wait3A_39] : memref<32x79x128xi32, #tpu.memory_space<hbm>> -> memref<1x79x128xi32, #tpu.memory_space<hbm>>
      %dma_wait3A_41 = tpu.memref_squeeze %dma_wait3A_40 : memref<1x79x128xi32, #tpu.memory_space<hbm>> -> memref<79x128xi32, #tpu.memory_space<hbm>>
      %dma_wait3A_42 = arith.constant 0 : i32
      %dma_wait3A_43 = arith.constant 0 : i32
      %dma_wait3A_44 = tpu.memref_slice %arg3[%add3A, %dma_wait3A_42, %dma_wait3A_43] : memref<32x79x128xi32, #tpu.memory_space<hbm>> -> memref<1x79x128xi32, #tpu.memory_space<hbm>>
      %dma_wait3A_45 = tpu.memref_squeeze %dma_wait3A_44 : memref<1x79x128xi32, #tpu.memory_space<hbm>> -> memref<79x128xi32, #tpu.memory_space<hbm>>
      tpu.wait_dma2 semaphore(%run_scoped3A : memref<!tpu.dma_semaphore, #tpu.memory_space<semaphore_mem>>) src(%dma_wait3A_45 : memref<79x128xi32, #tpu.memory_space<hbm>>) dst(%arg6 : memref<79x128xi32, #tpu.memory_space<vmem>>)
      tpu.yield
    }) : () -> ()
    "tpu.region"() ({
      %run_scoped3A = tpu.sem_alloc : memref<!tpu.dma_semaphore, #tpu.memory_space<semaphore_mem>>
      %dma_start3A = arith.constant 0 : i32
      %dma_start3A_32 = arith.constant 0 : i32
      %dma_start3A_33 = tpu.memref_slice %arg4[%add3A, %dma_start3A, %dma_start3A_32] : memref<32x79x128xi32, #tpu.memory_space<hbm>> -> memref<1x79x128xi32, #tpu.memory_space<hbm>>
      %dma_start3A_34 = tpu.memref_squeeze %dma_start3A_33 : memref<1x79x128xi32, #tpu.memory_space<hbm>> -> memref<79x128xi32, #tpu.memory_space<hbm>>
      %dma_start3A_35 = arith.constant 0 : i32
      %dma_start3A_36 = arith.constant 0 : i32
      %dma_start3A_37 = tpu.memref_slice %arg4[%add3A, %dma_start3A_35, %dma_start3A_36] : memref<32x79x128xi32, #tpu.memory_space<hbm>> -> memref<1x79x128xi32, #tpu.memory_space<hbm>>
      %dma_start3A_38 = tpu.memref_squeeze %dma_start3A_37 : memref<1x79x128xi32, #tpu.memory_space<hbm>> -> memref<79x128xi32, #tpu.memory_space<hbm>>
      tpu.enqueue_dma source(%dma_start3A_38 : memref<79x128xi32, #tpu.memory_space<hbm>>) target(%arg7 : memref<79x128xi32, #tpu.memory_space<vmem>>) target_semaphore(%run_scoped3A : memref<!tpu.dma_semaphore, #tpu.memory_space<semaphore_mem>>)
      %dma_wait3A = arith.constant 0 : i32
      %dma_wait3A_39 = arith.constant 0 : i32
      %dma_wait3A_40 = tpu.memref_slice %arg4[%add3A, %dma_wait3A, %dma_wait3A_39] : memref<32x79x128xi32, #tpu.memory_space<hbm>> -> memref<1x79x128xi32, #tpu.memory_space<hbm>>
      %dma_wait3A_41 = tpu.memref_squeeze %dma_wait3A_40 : memref<1x79x128xi32, #tpu.memory_space<hbm>> -> memref<79x128xi32, #tpu.memory_space<hbm>>
      %dma_wait3A_42 = arith.constant 0 : i32
      %dma_wait3A_43 = arith.constant 0 : i32
      %dma_wait3A_44 = tpu.memref_slice %arg4[%add3A, %dma_wait3A_42, %dma_wait3A_43] : memref<32x79x128xi32, #tpu.memory_space<hbm>> -> memref<1x79x128xi32, #tpu.memory_space<hbm>>
      %dma_wait3A_45 = tpu.memref_squeeze %dma_wait3A_44 : memref<1x79x128xi32, #tpu.memory_space<hbm>> -> memref<79x128xi32, #tpu.memory_space<hbm>>
      tpu.wait_dma2 semaphore(%run_scoped3A : memref<!tpu.dma_semaphore, #tpu.memory_space<semaphore_mem>>) src(%dma_wait3A_45 : memref<79x128xi32, #tpu.memory_space<hbm>>) dst(%arg7 : memref<79x128xi32, #tpu.memory_space<vmem>>)
      tpu.yield
    }) : () -> ()
    %broadcast_in_dim3A = arith.constant 0.000000e+00 : f32
    %broadcast_in_dim3A_1 = vector.broadcast %broadcast_in_dim3A : f32 to vector<16xf32>
    %scan3A = arith.constant 0 : i32
    %scan3A_2 = arith.constant 0 : i32
    %scan3A_3 = arith.constant 1024 : i32
    %scan3A_4 = arith.addi %scan3A_2, %scan3A_3 : i32
    %scan3A_5 = arith.constant 1 : i32
    %scan3A_6 = scf.for %scan3A_32 = %scan3A_2 to %scan3A_4 step %scan3A_5 iter_args(%scan3A_33 = %scan3A) -> (i32)  : i32 {
      %jit3A = arith.constant 8 : i32
      %div3A = arith.divsi %scan3A_32, %jit3A : i32
      %sign3A = arith.constant 0 : i32
      %sign3A_34 = arith.cmpi sgt, %scan3A_32, %sign3A : i32
      %sign3A_35 = arith.extui %sign3A_34 : i1 to i32
      %sign3A_36 = arith.constant 0 : i32
      %sign3A_37 = arith.cmpi slt, %scan3A_32, %sign3A_36 : i32
      %sign3A_38 = arith.extui %sign3A_37 : i1 to i32
      %sign3A_39 = arith.subi %sign3A_35, %sign3A_38 : i32
      %sign3A_40 = arith.constant 0 : i32
      %sign3A_41 = arith.cmpi sgt, %jit3A, %sign3A_40 : i32
      %sign3A_42 = arith.extui %sign3A_41 : i1 to i32
      %sign3A_43 = arith.constant 0 : i32
      %sign3A_44 = arith.cmpi slt, %jit3A, %sign3A_43 : i32
      %sign3A_45 = arith.extui %sign3A_44 : i1 to i32
      %sign3A_46 = arith.subi %sign3A_42, %sign3A_45 : i32
      %ne3A = arith.cmpi ne, %sign3A_39, %sign3A_46 : i32
      %rem3A = arith.remsi %scan3A_32, %jit3A : i32
      %ne3A_47 = arith.constant 0 : i32
      %ne3A_48 = arith.cmpi ne, %rem3A, %ne3A_47 : i32
      %and3A = arith.andi %ne3A, %ne3A_48 : i1
      %sub3A = arith.constant 1 : i32
      %sub3A_49 = arith.subi %div3A, %sub3A : i32
      %select_n3A = arith.select %and3A, %sub3A_49, %div3A : i32
      %jit3A_50 = arith.constant 8 : i32
      %eq3A = arith.constant 0 : i32
      %eq3A_51 = arith.cmpi eq, %jit3A_50, %eq3A : i32
      %jit3A_52 = arith.constant 1 : i32
      %select_n3A_53 = arith.select %eq3A_51, %jit3A_52, %jit3A_50 : i32
      %rem3A_54 = arith.remsi %scan3A_32, %select_n3A_53 : i32
      %ne3A_55 = arith.constant 0 : i32
      %ne3A_56 = arith.cmpi ne, %rem3A_54, %ne3A_55 : i32
      %lt3A = arith.constant 0 : i32
      %lt3A_57 = arith.cmpi slt, %rem3A_54, %lt3A : i32
      %lt3A_58 = arith.constant 0 : i32
      %lt3A_59 = arith.cmpi slt, %select_n3A_53, %lt3A_58 : i32
      %ne3A_60 = arith.xori %lt3A_57, %lt3A_59 : i1
      %and3A_61 = arith.andi %ne3A_60, %ne3A_56 : i1
      %add3A_62 = arith.addi %rem3A_54, %select_n3A_53 : i32
      %select_n3A_63 = arith.select %and3A_61, %add3A_62, %rem3A_54 : i32
      %mul3A_64 = arith.constant 16 : i32
      %mul3A_65 = arith.muli %select_n3A_63, %mul3A_64 : i32
      %swap3A = arith.index_cast %select_n3A : i32 to index
      %swap3A_66 = arith.index_cast %mul3A_65 : i32 to index
      %swap3A_67 = tpu.vector_load %arg8[%swap3A, %swap3A_66] {strides = array<i32>} : memref<128x128xf32, #tpu.memory_space<vmem>>, vector<16xf32>,
      tpu.vector_store %arg8[%swap3A, %swap3A_66], %broadcast_in_dim3A_1 {strides = array<i32>} : memref<128x128xf32, #tpu.memory_space<vmem>>, vector<16xf32>,
      %scan3A_68 = arith.constant 0 : i32
      scf.yield %scan3A_68 : i32
    }
    %scan3A_7 = arith.constant 1024 : i32
    %mul3A_8 = arith.constant 640 : i32
    %mul3A_9 = arith.muli %arg1, %mul3A_8 : i32
    %scan3A_10 = arith.constant 0 : i32
    %scan3A_11 = arith.constant 0 : i32
    %scan3A_12 = arith.constant 5 : i32
    %scan3A_13 = arith.addi %scan3A_11, %scan3A_12 : i32
    %scan3A_14 = arith.constant 1 : i32
    %scan3A_15 = scf.for %scan3A_32 = %scan3A_11 to %scan3A_13 step %scan3A_14 iter_args(%scan3A_33 = %scan3A_10) -> (i32)  : i32 {
      %mul3A_34 = arith.constant 128 : i32
      %mul3A_35 = arith.muli %scan3A_32, %mul3A_34 : i32
      %add3A_36 = arith.addi %mul3A_9, %mul3A_35 : i32
      "tpu.region"() ({
        %run_scoped3A = tpu.sem_alloc : memref<!tpu.dma_semaphore, #tpu.memory_space<semaphore_mem>>
        %dma_start3A = arith.constant 0 : i32
        %dma_start3A_38 = arith.constant 0 : i32
        %dma_start3A_39 = tpu.memref_slice %arg8[%dma_start3A, %dma_start3A_38] : memref<128x128xf32, #tpu.memory_space<vmem>> -> memref<128x128xf32, #tpu.memory_space<vmem>>
        %dma_start3A_40 = arith.constant 0 : i32
        %dma_start3A_41 = tpu.memref_slice %arg9[%add3A_36, %dma_start3A_40] : memref<10240x128xf32, #tpu.memory_space<vmem_shared>> -> memref<128x128xf32, #tpu.memory_space<vmem_shared>>
        %dma_start3A_42 = arith.constant 0 : i32
        %dma_start3A_43 = tpu.memref_slice %arg9[%add3A_36, %dma_start3A_42] : memref<10240x128xf32, #tpu.memory_space<vmem_shared>> -> memref<128x128xf32, #tpu.memory_space<vmem_shared>>
        %dma_start3A_44 = arith.constant 0 : i32
        %dma_start3A_45 = arith.constant 0 : i32
        %dma_start3A_46 = tpu.memref_slice %arg8[%dma_start3A_44, %dma_start3A_45] : memref<128x128xf32, #tpu.memory_space<vmem>> -> memref<128x128xf32, #tpu.memory_space<vmem>>
        tpu.enqueue_dma source(%dma_start3A_46 : memref<128x128xf32, #tpu.memory_space<vmem>>) target(%dma_start3A_43 : memref<128x128xf32, #tpu.memory_space<vmem_shared>>) target_semaphore(%run_scoped3A : memref<!tpu.dma_semaphore, #tpu.memory_space<semaphore_mem>>)
        %dma_wait3A = arith.constant 0 : i32
        %dma_wait3A_47 = arith.constant 0 : i32
        %dma_wait3A_48 = tpu.memref_slice %arg8[%dma_wait3A, %dma_wait3A_47] : memref<128x128xf32, #tpu.memory_space<vmem>> -> memref<128x128xf32, #tpu.memory_space<vmem>>
        %dma_wait3A_49 = arith.constant 0 : i32
        %dma_wait3A_50 = tpu.memref_slice %arg9[%add3A_36, %dma_wait3A_49] : memref<10240x128xf32, #tpu.memory_space<vmem_shared>> -> memref<128x128xf32, #tpu.memory_space<vmem_shared>>
        %dma_wait3A_51 = arith.constant 0 : i32
        %dma_wait3A_52 = tpu.memref_slice %arg9[%add3A_36, %dma_wait3A_51] : memref<10240x128xf32, #tpu.memory_space<vmem_shared>> -> memref<128x128xf32, #tpu.memory_space<vmem_shared>>
        %dma_wait3A_53 = arith.constant 0 : i32
        %dma_wait3A_54 = arith.constant 0 : i32
        %dma_wait3A_55 = tpu.memref_slice %arg8[%dma_wait3A_53, %dma_wait3A_54] : memref<128x128xf32, #tpu.memory_space<vmem>> -> memref<128x128xf32, #tpu.memory_space<vmem>>
        tpu.wait_dma2 semaphore(%run_scoped3A : memref<!tpu.dma_semaphore, #tpu.memory_space<semaphore_mem>>) src(%dma_wait3A_55 : memref<128x128xf32, #tpu.memory_space<vmem>>) dst(%dma_wait3A_52 : memref<128x128xf32, #tpu.memory_space<vmem_shared>>)
        tpu.yield
      }) : () -> ()
      %scan3A_37 = arith.constant 0 : i32
      scf.yield %scan3A_37 : i32
    }
    %scan3A_16 = arith.constant 5 : i32
    %barrier3A = arith.constant 0 : index
    tpu.barrier barrier_id(%barrier3A)
    %scan3A_17 = arith.constant 0 : i32
    %scan3A_18 = arith.constant 0 : i32
    %scan3A_19 = arith.constant 79 : i32
    %scan3A_20 = arith.addi %scan3A_18, %scan3A_19 : i32
    %scan3A_21 = arith.constant 1 : i32
    %scan3A_22 = scf.for %scan3A_32 = %scan3A_18 to %scan3A_20 step %scan3A_21 iter_args(%scan3A_33 = %scan3A_17) -> (i32)  : i32 {
      %dma_start3A = arith.constant 0 : i32
      %dma_start3A_34 = tpu.memref_slice %arg6[%scan3A_32, %dma_start3A] : memref<79x128xi32, #tpu.memory_space<vmem>> -> memref<1x128xi32, #tpu.memory_space<vmem>>
      %dma_start3A_35 = tpu.memref_squeeze %dma_start3A_34 : memref<1x128xi32, #tpu.memory_space<vmem>> -> memref<128xi32, #tpu.memory_space<vmem>>
      %dma_start3A_36 = arith.constant 0 : i32
      %dma_start3A_37 = arith.constant 0 : i32
      %dma_start3A_38 = tpu.memref_slice %arg2[%dma_start3A_36, %dma_start3A_37] : memref<10000x128xf32, #tpu.memory_space<hbm>> -> memref<10000x128xf32, #tpu.memory_space<hbm>>
      tpu.enqueue_indirect_dma source(%dma_start3A_38 : memref<10000x128xf32, #tpu.memory_space<hbm>>) target(%arg8 : memref<128x128xf32, #tpu.memory_space<vmem>>) offsets(%dma_start3A_35 : memref<128xi32, #tpu.memory_space<vmem>>) semaphore(%arg10 : memref<!tpu.dma_semaphore, #tpu.memory_space<semaphore_mem>>)
      %dma_wait3A = arith.constant 0 : i32
      %dma_wait3A_39 = tpu.memref_slice %arg6[%scan3A_32, %dma_wait3A] : memref<79x128xi32, #tpu.memory_space<vmem>> -> memref<1x128xi32, #tpu.memory_space<vmem>>
      %dma_wait3A_40 = tpu.memref_squeeze %dma_wait3A_39 : memref<1x128xi32, #tpu.memory_space<vmem>> -> memref<128xi32, #tpu.memory_space<vmem>>
      %dma_wait3A_41 = arith.constant 0 : i32
      %dma_wait3A_42 = arith.constant 0 : i32
      %dma_wait3A_43 = tpu.memref_slice %arg2[%dma_wait3A_41, %dma_wait3A_42] : memref<10000x128xf32, #tpu.memory_space<hbm>> -> memref<10000x128xf32, #tpu.memory_space<hbm>>
      tpu.wait_indirect_dma semaphore(%arg10 : memref<!tpu.dma_semaphore, #tpu.memory_space<semaphore_mem>>) src(%dma_wait3A_43 : memref<10000x128xf32, #tpu.memory_space<hbm>>) dst(%arg8 : memref<128x128xf32, #tpu.memory_space<vmem>>)
      "tpu.region"() ({
        %run_scoped3A = tpu.sem_alloc : memref<!tpu.dma_semaphore, #tpu.memory_space<semaphore_mem>>
        %dma_start3A_45 = arith.constant 0 : i32
        %dma_start3A_46 = tpu.memref_slice %arg7[%scan3A_32, %dma_start3A_45] : memref<79x128xi32, #tpu.memory_space<vmem>> -> memref<1x128xi32, #tpu.memory_space<vmem>>
        %dma_start3A_47 = tpu.memref_squeeze %dma_start3A_46 : memref<1x128xi32, #tpu.memory_space<vmem>> -> memref<128xi32, #tpu.memory_space<vmem>>
        %dma_start3A_48 = arith.constant 0 : i32
        %dma_start3A_49 = arith.constant 0 : i32
        %dma_start3A_50 = tpu.memref_slice %arg9[%dma_start3A_48, %dma_start3A_49] : memref<10240x128xf32, #tpu.memory_space<vmem_shared>> -> memref<10240x128xf32, #tpu.memory_space<vmem_shared>>
        tpu.enqueue_indirect_dma source(%arg8 : memref<128x128xf32, #tpu.memory_space<vmem>>) target(%dma_start3A_50 : memref<10240x128xf32, #tpu.memory_space<vmem_shared>>) offsets(%dma_start3A_47 : memref<128xi32, #tpu.memory_space<vmem>>) semaphore(%run_scoped3A : memref<!tpu.dma_semaphore, #tpu.memory_space<semaphore_mem>>) {add = true}
        %dma_wait3A_51 = arith.constant 0 : i32
        %dma_wait3A_52 = tpu.memref_slice %arg7[%scan3A_32, %dma_wait3A_51] : memref<79x128xi32, #tpu.memory_space<vmem>> -> memref<1x128xi32, #tpu.memory_space<vmem>>
        %dma_wait3A_53 = tpu.memref_squeeze %dma_wait3A_52 : memref<1x128xi32, #tpu.memory_space<vmem>> -> memref<128xi32, #tpu.memory_space<vmem>>
        %dma_wait3A_54 = arith.constant 0 : i32
        %dma_wait3A_55 = arith.constant 0 : i32
        %dma_wait3A_56 = tpu.memref_slice %arg9[%dma_wait3A_54, %dma_wait3A_55] : memref<10240x128xf32, #tpu.memory_space<vmem_shared>> -> memref<10240x128xf32, #tpu.memory_space<vmem_shared>>
        tpu.wait_indirect_dma semaphore(%run_scoped3A : memref<!tpu.dma_semaphore, #tpu.memory_space<semaphore_mem>>) src(%arg8 : memref<128x128xf32, #tpu.memory_space<vmem>>) dst(%dma_wait3A_56 : memref<10240x128xf32, #tpu.memory_space<vmem_shared>>)
        tpu.yield
      }) : () -> ()
      %scan3A_44 = arith.constant 0 : i32
      scf.yield %scan3A_44 : i32
    }
    %scan3A_23 = arith.constant 79 : i32
    %barrier3A_24 = arith.constant 0 : index
    tpu.barrier barrier_id(%barrier3A_24)
    %scan3A_25 = arith.constant 0 : i32
    %scan3A_26 = arith.constant 0 : i32
    %scan3A_27 = arith.constant 5 : i32
    %scan3A_28 = arith.addi %scan3A_26, %scan3A_27 : i32
    %scan3A_29 = arith.constant 1 : i32
    %scan3A_30 = scf.for %scan3A_32 = %scan3A_26 to %scan3A_28 step %scan3A_29 iter_args(%scan3A_33 = %scan3A_25) -> (i32)  : i32 {
      %mul3A_34 = arith.constant 128 : i32
      %mul3A_35 = arith.muli %scan3A_32, %mul3A_34 : i32
      %add3A_36 = arith.addi %mul3A_9, %mul3A_35 : i32
      "tpu.region"() ({
        %run_scoped3A = tpu.sem_alloc : memref<!tpu.dma_semaphore, #tpu.memory_space<semaphore_mem>>
        %dma_start3A = arith.constant 0 : i32
        %dma_start3A_38 = arith.constant 0 : i32
        %dma_start3A_39 = tpu.memref_slice %arg8[%dma_start3A, %dma_start3A_38] : memref<128x128xf32, #tpu.memory_space<vmem>> -> memref<128x128xf32, #tpu.memory_space<vmem>>
        %dma_start3A_40 = arith.constant 0 : i32
        %dma_start3A_41 = tpu.memref_slice %arg9[%add3A_36, %dma_start3A_40] : memref<10240x128xf32, #tpu.memory_space<vmem_shared>> -> memref<128x128xf32, #tpu.memory_space<vmem_shared>>
        %dma_start3A_42 = arith.constant 0 : i32
        %dma_start3A_43 = arith.constant 0 : i32
        %dma_start3A_44 = tpu.memref_slice %arg8[%dma_start3A_42, %dma_start3A_43] : memref<128x128xf32, #tpu.memory_space<vmem>> -> memref<128x128xf32, #tpu.memory_space<vmem>>
        %dma_start3A_45 = arith.constant 0 : i32
        %dma_start3A_46 = tpu.memref_slice %arg9[%add3A_36, %dma_start3A_45] : memref<10240x128xf32, #tpu.memory_space<vmem_shared>> -> memref<128x128xf32, #tpu.memory_space<vmem_shared>>
        tpu.enqueue_dma source(%dma_start3A_46 : memref<128x128xf32, #tpu.memory_space<vmem_shared>>) target(%dma_start3A_44 : memref<128x128xf32, #tpu.memory_space<vmem>>) target_semaphore(%run_scoped3A : memref<!tpu.dma_semaphore, #tpu.memory_space<semaphore_mem>>)
        %dma_wait3A = arith.constant 0 : i32
        %dma_wait3A_47 = arith.constant 0 : i32
        %dma_wait3A_48 = tpu.memref_slice %arg8[%dma_wait3A, %dma_wait3A_47] : memref<128x128xf32, #tpu.memory_space<vmem>> -> memref<128x128xf32, #tpu.memory_space<vmem>>
        %dma_wait3A_49 = arith.constant 0 : i32
        %dma_wait3A_50 = tpu.memref_slice %arg9[%add3A_36, %dma_wait3A_49] : memref<10240x128xf32, #tpu.memory_space<vmem_shared>> -> memref<128x128xf32, #tpu.memory_space<vmem_shared>>
        %dma_wait3A_51 = arith.constant 0 : i32
        %dma_wait3A_52 = arith.constant 0 : i32
        %dma_wait3A_53 = tpu.memref_slice %arg8[%dma_wait3A_51, %dma_wait3A_52] : memref<128x128xf32, #tpu.memory_space<vmem>> -> memref<128x128xf32, #tpu.memory_space<vmem>>
        %dma_wait3A_54 = arith.constant 0 : i32
        %dma_wait3A_55 = tpu.memref_slice %arg9[%add3A_36, %dma_wait3A_54] : memref<10240x128xf32, #tpu.memory_space<vmem_shared>> -> memref<128x128xf32, #tpu.memory_space<vmem_shared>>
        tpu.wait_dma2 semaphore(%run_scoped3A : memref<!tpu.dma_semaphore, #tpu.memory_space<semaphore_mem>>) src(%dma_wait3A_55 : memref<128x128xf32, #tpu.memory_space<vmem_shared>>) dst(%dma_wait3A_53 : memref<128x128xf32, #tpu.memory_space<vmem>>)
        tpu.yield
      }) : () -> ()
      "tpu.region"() ({
        %run_scoped3A = tpu.sem_alloc : memref<!tpu.dma_semaphore, #tpu.memory_space<semaphore_mem>>
        %dma_start3A = arith.constant 0 : i32
        %dma_start3A_38 = arith.constant 0 : i32
        %dma_start3A_39 = tpu.memref_slice %arg8[%dma_start3A, %dma_start3A_38] : memref<128x128xf32, #tpu.memory_space<vmem>> -> memref<128x128xf32, #tpu.memory_space<vmem>>
        %dma_start3A_40 = arith.constant 0 : i32
        %dma_start3A_41 = tpu.memref_slice %arg5[%arg0, %add3A_36, %dma_start3A_40] : memref<2x10240x128xf32, #tpu.memory_space<hbm>> -> memref<1x128x128xf32, #tpu.memory_space<hbm>>
        %dma_start3A_42 = tpu.memref_squeeze %dma_start3A_41 : memref<1x128x128xf32, #tpu.memory_space<hbm>> -> memref<128x128xf32, #tpu.memory_space<hbm>>
        %dma_start3A_43 = arith.constant 0 : i32
        %dma_start3A_44 = tpu.memref_slice %arg5[%arg0, %add3A_36, %dma_start3A_43] : memref<2x10240x128xf32, #tpu.memory_space<hbm>> -> memref<1x128x128xf32, #tpu.memory_space<hbm>>
        %dma_start3A_45 = tpu.memref_squeeze %dma_start3A_44 : memref<1x128x128xf32, #tpu.memory_space<hbm>> -> memref<128x128xf32, #tpu.memory_space<hbm>>
        %dma_start3A_46 = arith.constant 0 : i32
        %dma_start3A_47 = arith.constant 0 : i32
        %dma_start3A_48 = tpu.memref_slice %arg8[%dma_start3A_46, %dma_start3A_47] : memref<128x128xf32, #tpu.memory_space<vmem>> -> memref<128x128xf32, #tpu.memory_space<vmem>>
        tpu.enqueue_dma source(%dma_start3A_48 : memref<128x128xf32, #tpu.memory_space<vmem>>) target(%dma_start3A_45 : memref<128x128xf32, #tpu.memory_space<hbm>>) target_semaphore(%run_scoped3A : memref<!tpu.dma_semaphore, #tpu.memory_space<semaphore_mem>>)
        %dma_wait3A = arith.constant 0 : i32
        %dma_wait3A_49 = arith.constant 0 : i32
        %dma_wait3A_50 = tpu.memref_slice %arg8[%dma_wait3A, %dma_wait3A_49] : memref<128x128xf32, #tpu.memory_space<vmem>> -> memref<128x128xf32, #tpu.memory_space<vmem>>
        %dma_wait3A_51 = arith.constant 0 : i32
        %dma_wait3A_52 = tpu.memref_slice %arg5[%arg0, %add3A_36, %dma_wait3A_51] : memref<2x10240x128xf32, #tpu.memory_space<hbm>> -> memref<1x128x128xf32, #tpu.memory_space<hbm>>
        %dma_wait3A_53 = tpu.memref_squeeze %dma_wait3A_52 : memref<1x128x128xf32, #tpu.memory_space<hbm>> -> memref<128x128xf32, #tpu.memory_space<hbm>>
        %dma_wait3A_54 = arith.constant 0 : i32
        %dma_wait3A_55 = tpu.memref_slice %arg5[%arg0, %add3A_36, %dma_wait3A_54] : memref<2x10240x128xf32, #tpu.memory_space<hbm>> -> memref<1x128x128xf32, #tpu.memory_space<hbm>>
        %dma_wait3A_56 = tpu.memref_squeeze %dma_wait3A_55 : memref<1x128x128xf32, #tpu.memory_space<hbm>> -> memref<128x128xf32, #tpu.memory_space<hbm>>
        %dma_wait3A_57 = arith.constant 0 : i32
        %dma_wait3A_58 = arith.constant 0 : i32
        %dma_wait3A_59 = tpu.memref_slice %arg8[%dma_wait3A_57, %dma_wait3A_58] : memref<128x128xf32, #tpu.memory_space<vmem>> -> memref<128x128xf32, #tpu.memory_space<vmem>>
        tpu.wait_dma2 semaphore(%run_scoped3A : memref<!tpu.dma_semaphore, #tpu.memory_space<semaphore_mem>>) src(%dma_wait3A_59 : memref<128x128xf32, #tpu.memory_space<vmem>>) dst(%dma_wait3A_56 : memref<128x128xf32, #tpu.memory_space<hbm>>)
        tpu.yield
      }) : () -> ()
      %scan3A_37 = arith.constant 0 : i32
      scf.yield %scan3A_37 : i32
    }
    %scan3A_31 = arith.constant 5 : i32
    return
  }
}

#map = affine_map<(d0, d1) -> (0, 0)>
#map1 = affine_map<(d0, d1) -> (0, 0, 0)>
module attributes {stable_mosaic.version = 14 : i64} {
  func.func @_edge_kernel(%arg0: i32, %arg1: i32, %arg2: memref<2x10240xf32, #tpu.memory_space<hbm>>, %arg3: memref<32x79x128xi32, #tpu.memory_space<hbm>>, %arg4: memref<32x79x128xi32, #tpu.memory_space<hbm>>, %arg5: memref<32x79x128xf32, #tpu.memory_space<hbm>>, %arg6: memref<79x128xi32, #tpu.memory_space<vmem>>, %arg7: memref<79x128xi32, #tpu.memory_space<vmem>>, %arg8: memref<10240xf32, #tpu.memory_space<vmem>>, %arg9: memref<10240xf32, #tpu.memory_space<vmem>>, %arg10: memref<79x128xf32, #tpu.memory_space<vmem>>) attributes {dimension_semantics = [#tpu.dimension_semantics<core_parallel>, #tpu.dimension_semantics<subcore_parallel>], iteration_bounds = array<i64: 2, 16>, scalar_prefetch = 0 : i64, scratch_operands = 5 : i64, tpu.core_type = #tpu.core_type<sc_vector_subcore>, window_params = [{transform_indices = #map}, {transform_indices = #map1}, {transform_indices = #map1}, {transform_indices = #map1}]} {
    %mul3A = arith.constant 16 : i32
    %mul3A_0 = arith.muli %arg0, %mul3A : i32
    %add3A = arith.addi %mul3A_0, %arg1 : i32
    "tpu.region"() ({
      %run_scoped3A_8 = tpu.sem_alloc : memref<!tpu.dma_semaphore, #tpu.memory_space<semaphore_mem>>
      %dma_start3A = arith.constant 0 : i32
      %dma_start3A_9 = arith.constant 0 : i32
      %dma_start3A_10 = tpu.memref_slice %arg3[%add3A, %dma_start3A, %dma_start3A_9] : memref<32x79x128xi32, #tpu.memory_space<hbm>> -> memref<1x79x128xi32, #tpu.memory_space<hbm>>
      %dma_start3A_11 = tpu.memref_squeeze %dma_start3A_10 : memref<1x79x128xi32, #tpu.memory_space<hbm>> -> memref<79x128xi32, #tpu.memory_space<hbm>>
      %dma_start3A_12 = arith.constant 0 : i32
      %dma_start3A_13 = arith.constant 0 : i32
      %dma_start3A_14 = tpu.memref_slice %arg3[%add3A, %dma_start3A_12, %dma_start3A_13] : memref<32x79x128xi32, #tpu.memory_space<hbm>> -> memref<1x79x128xi32, #tpu.memory_space<hbm>>
      %dma_start3A_15 = tpu.memref_squeeze %dma_start3A_14 : memref<1x79x128xi32, #tpu.memory_space<hbm>> -> memref<79x128xi32, #tpu.memory_space<hbm>>
      tpu.enqueue_dma source(%dma_start3A_15 : memref<79x128xi32, #tpu.memory_space<hbm>>) target(%arg6 : memref<79x128xi32, #tpu.memory_space<vmem>>) target_semaphore(%run_scoped3A_8 : memref<!tpu.dma_semaphore, #tpu.memory_space<semaphore_mem>>)
      %dma_wait3A = arith.constant 0 : i32
      %dma_wait3A_16 = arith.constant 0 : i32
      %dma_wait3A_17 = tpu.memref_slice %arg3[%add3A, %dma_wait3A, %dma_wait3A_16] : memref<32x79x128xi32, #tpu.memory_space<hbm>> -> memref<1x79x128xi32, #tpu.memory_space<hbm>>
      %dma_wait3A_18 = tpu.memref_squeeze %dma_wait3A_17 : memref<1x79x128xi32, #tpu.memory_space<hbm>> -> memref<79x128xi32, #tpu.memory_space<hbm>>
      %dma_wait3A_19 = arith.constant 0 : i32
      %dma_wait3A_20 = arith.constant 0 : i32
      %dma_wait3A_21 = tpu.memref_slice %arg3[%add3A, %dma_wait3A_19, %dma_wait3A_20] : memref<32x79x128xi32, #tpu.memory_space<hbm>> -> memref<1x79x128xi32, #tpu.memory_space<hbm>>
      %dma_wait3A_22 = tpu.memref_squeeze %dma_wait3A_21 : memref<1x79x128xi32, #tpu.memory_space<hbm>> -> memref<79x128xi32, #tpu.memory_space<hbm>>
      tpu.wait_dma2 semaphore(%run_scoped3A_8 : memref<!tpu.dma_semaphore, #tpu.memory_space<semaphore_mem>>) src(%dma_wait3A_22 : memref<79x128xi32, #tpu.memory_space<hbm>>) dst(%arg6 : memref<79x128xi32, #tpu.memory_space<vmem>>)
      tpu.yield
    }) : () -> ()
    "tpu.region"() ({
      %run_scoped3A_8 = tpu.sem_alloc : memref<!tpu.dma_semaphore, #tpu.memory_space<semaphore_mem>>
      %dma_start3A = arith.constant 0 : i32
      %dma_start3A_9 = arith.constant 0 : i32
      %dma_start3A_10 = tpu.memref_slice %arg4[%add3A, %dma_start3A, %dma_start3A_9] : memref<32x79x128xi32, #tpu.memory_space<hbm>> -> memref<1x79x128xi32, #tpu.memory_space<hbm>>
      %dma_start3A_11 = tpu.memref_squeeze %dma_start3A_10 : memref<1x79x128xi32, #tpu.memory_space<hbm>> -> memref<79x128xi32, #tpu.memory_space<hbm>>
      %dma_start3A_12 = arith.constant 0 : i32
      %dma_start3A_13 = arith.constant 0 : i32
      %dma_start3A_14 = tpu.memref_slice %arg4[%add3A, %dma_start3A_12, %dma_start3A_13] : memref<32x79x128xi32, #tpu.memory_space<hbm>> -> memref<1x79x128xi32, #tpu.memory_space<hbm>>
      %dma_start3A_15 = tpu.memref_squeeze %dma_start3A_14 : memref<1x79x128xi32, #tpu.memory_space<hbm>> -> memref<79x128xi32, #tpu.memory_space<hbm>>
      tpu.enqueue_dma source(%dma_start3A_15 : memref<79x128xi32, #tpu.memory_space<hbm>>) target(%arg7 : memref<79x128xi32, #tpu.memory_space<vmem>>) target_semaphore(%run_scoped3A_8 : memref<!tpu.dma_semaphore, #tpu.memory_space<semaphore_mem>>)
      %dma_wait3A = arith.constant 0 : i32
      %dma_wait3A_16 = arith.constant 0 : i32
      %dma_wait3A_17 = tpu.memref_slice %arg4[%add3A, %dma_wait3A, %dma_wait3A_16] : memref<32x79x128xi32, #tpu.memory_space<hbm>> -> memref<1x79x128xi32, #tpu.memory_space<hbm>>
      %dma_wait3A_18 = tpu.memref_squeeze %dma_wait3A_17 : memref<1x79x128xi32, #tpu.memory_space<hbm>> -> memref<79x128xi32, #tpu.memory_space<hbm>>
      %dma_wait3A_19 = arith.constant 0 : i32
      %dma_wait3A_20 = arith.constant 0 : i32
      %dma_wait3A_21 = tpu.memref_slice %arg4[%add3A, %dma_wait3A_19, %dma_wait3A_20] : memref<32x79x128xi32, #tpu.memory_space<hbm>> -> memref<1x79x128xi32, #tpu.memory_space<hbm>>
      %dma_wait3A_22 = tpu.memref_squeeze %dma_wait3A_21 : memref<1x79x128xi32, #tpu.memory_space<hbm>> -> memref<79x128xi32, #tpu.memory_space<hbm>>
      tpu.wait_dma2 semaphore(%run_scoped3A_8 : memref<!tpu.dma_semaphore, #tpu.memory_space<semaphore_mem>>) src(%dma_wait3A_22 : memref<79x128xi32, #tpu.memory_space<hbm>>) dst(%arg7 : memref<79x128xi32, #tpu.memory_space<vmem>>)
      tpu.yield
    }) : () -> ()
    %run_scoped3A = arith.constant 0 : i32
    "tpu.region"() ({
      %run_scoped3A_8 = tpu.sem_alloc : memref<!tpu.dma_semaphore, #tpu.memory_space<semaphore_mem>>
      %dma_start3A = arith.constant 0 : i32
      %dma_start3A_9 = tpu.memref_slice %arg2[%run_scoped3A, %dma_start3A] : memref<2x10240xf32, #tpu.memory_space<hbm>> -> memref<1x10240xf32, #tpu.memory_space<hbm>>
      %dma_start3A_10 = tpu.memref_squeeze %dma_start3A_9 : memref<1x10240xf32, #tpu.memory_space<hbm>> -> memref<10240xf32, #tpu.memory_space<hbm>>
      %dma_start3A_11 = arith.constant 0 : i32
      %dma_start3A_12 = tpu.memref_slice %arg2[%run_scoped3A, %dma_start3A_11] : memref<2x10240xf32, #tpu.memory_space<hbm>> -> memref<1x10240xf32, #tpu.memory_space<hbm>>
      %dma_start3A_13 = tpu.memref_squeeze %dma_start3A_12 : memref<1x10240xf32, #tpu.memory_space<hbm>> -> memref<10240xf32, #tpu.memory_space<hbm>>
      tpu.enqueue_dma source(%dma_start3A_13 : memref<10240xf32, #tpu.memory_space<hbm>>) target(%arg8 : memref<10240xf32, #tpu.memory_space<vmem>>) target_semaphore(%run_scoped3A_8 : memref<!tpu.dma_semaphore, #tpu.memory_space<semaphore_mem>>)
      %dma_wait3A = arith.constant 0 : i32
      %dma_wait3A_14 = tpu.memref_slice %arg2[%run_scoped3A, %dma_wait3A] : memref<2x10240xf32, #tpu.memory_space<hbm>> -> memref<1x10240xf32, #tpu.memory_space<hbm>>
      %dma_wait3A_15 = tpu.memref_squeeze %dma_wait3A_14 : memref<1x10240xf32, #tpu.memory_space<hbm>> -> memref<10240xf32, #tpu.memory_space<hbm>>
      %dma_wait3A_16 = arith.constant 0 : i32
      %dma_wait3A_17 = tpu.memref_slice %arg2[%run_scoped3A, %dma_wait3A_16] : memref<2x10240xf32, #tpu.memory_space<hbm>> -> memref<1x10240xf32, #tpu.memory_space<hbm>>
      %dma_wait3A_18 = tpu.memref_squeeze %dma_wait3A_17 : memref<1x10240xf32, #tpu.memory_space<hbm>> -> memref<10240xf32, #tpu.memory_space<hbm>>
      tpu.wait_dma2 semaphore(%run_scoped3A_8 : memref<!tpu.dma_semaphore, #tpu.memory_space<semaphore_mem>>) src(%dma_wait3A_18 : memref<10240xf32, #tpu.memory_space<hbm>>) dst(%arg8 : memref<10240xf32, #tpu.memory_space<vmem>>)
      tpu.yield
    }) : () -> ()
    %run_scoped3A_1 = arith.constant 1 : i32
    "tpu.region"() ({
      %run_scoped3A_8 = tpu.sem_alloc : memref<!tpu.dma_semaphore, #tpu.memory_space<semaphore_mem>>
      %dma_start3A = arith.constant 0 : i32
      %dma_start3A_9 = tpu.memref_slice %arg2[%run_scoped3A_1, %dma_start3A] : memref<2x10240xf32, #tpu.memory_space<hbm>> -> memref<1x10240xf32, #tpu.memory_space<hbm>>
      %dma_start3A_10 = tpu.memref_squeeze %dma_start3A_9 : memref<1x10240xf32, #tpu.memory_space<hbm>> -> memref<10240xf32, #tpu.memory_space<hbm>>
      %dma_start3A_11 = arith.constant 0 : i32
      %dma_start3A_12 = tpu.memref_slice %arg2[%run_scoped3A_1, %dma_start3A_11] : memref<2x10240xf32, #tpu.memory_space<hbm>> -> memref<1x10240xf32, #tpu.memory_space<hbm>>
      %dma_start3A_13 = tpu.memref_squeeze %dma_start3A_12 : memref<1x10240xf32, #tpu.memory_space<hbm>> -> memref<10240xf32, #tpu.memory_space<hbm>>
      tpu.enqueue_dma source(%dma_start3A_13 : memref<10240xf32, #tpu.memory_space<hbm>>) target(%arg9 : memref<10240xf32, #tpu.memory_space<vmem>>) target_semaphore(%run_scoped3A_8 : memref<!tpu.dma_semaphore, #tpu.memory_space<semaphore_mem>>)
      %dma_wait3A = arith.constant 0 : i32
      %dma_wait3A_14 = tpu.memref_slice %arg2[%run_scoped3A_1, %dma_wait3A] : memref<2x10240xf32, #tpu.memory_space<hbm>> -> memref<1x10240xf32, #tpu.memory_space<hbm>>
      %dma_wait3A_15 = tpu.memref_squeeze %dma_wait3A_14 : memref<1x10240xf32, #tpu.memory_space<hbm>> -> memref<10240xf32, #tpu.memory_space<hbm>>
      %dma_wait3A_16 = arith.constant 0 : i32
      %dma_wait3A_17 = tpu.memref_slice %arg2[%run_scoped3A_1, %dma_wait3A_16] : memref<2x10240xf32, #tpu.memory_space<hbm>> -> memref<1x10240xf32, #tpu.memory_space<hbm>>
      %dma_wait3A_18 = tpu.memref_squeeze %dma_wait3A_17 : memref<1x10240xf32, #tpu.memory_space<hbm>> -> memref<10240xf32, #tpu.memory_space<hbm>>
      tpu.wait_dma2 semaphore(%run_scoped3A_8 : memref<!tpu.dma_semaphore, #tpu.memory_space<semaphore_mem>>) src(%dma_wait3A_18 : memref<10240xf32, #tpu.memory_space<hbm>>) dst(%arg9 : memref<10240xf32, #tpu.memory_space<vmem>>)
      tpu.yield
    }) : () -> ()
    %scan3A = arith.constant 0 : i32
    %scan3A_2 = arith.constant 0 : i32
    %scan3A_3 = arith.constant 632 : i32
    %scan3A_4 = arith.addi %scan3A_2, %scan3A_3 : i32
    %scan3A_5 = arith.constant 1 : i32
    %scan3A_6 = scf.for %scan3A_8 = %scan3A_2 to %scan3A_4 step %scan3A_5 iter_args(%scan3A_9 = %scan3A) -> (i32)  : i32 {
      %jit3A = arith.constant 8 : i32
      %div3A = arith.divsi %scan3A_8, %jit3A : i32
      %sign3A = arith.constant 0 : i32
      %sign3A_10 = arith.cmpi sgt, %scan3A_8, %sign3A : i32
      %sign3A_11 = arith.extui %sign3A_10 : i1 to i32
      %sign3A_12 = arith.constant 0 : i32
      %sign3A_13 = arith.cmpi slt, %scan3A_8, %sign3A_12 : i32
      %sign3A_14 = arith.extui %sign3A_13 : i1 to i32
      %sign3A_15 = arith.subi %sign3A_11, %sign3A_14 : i32
      %sign3A_16 = arith.constant 0 : i32
      %sign3A_17 = arith.cmpi sgt, %jit3A, %sign3A_16 : i32
      %sign3A_18 = arith.extui %sign3A_17 : i1 to i32
      %sign3A_19 = arith.constant 0 : i32
      %sign3A_20 = arith.cmpi slt, %jit3A, %sign3A_19 : i32
      %sign3A_21 = arith.extui %sign3A_20 : i1 to i32
      %sign3A_22 = arith.subi %sign3A_18, %sign3A_21 : i32
      %ne3A = arith.cmpi ne, %sign3A_15, %sign3A_22 : i32
      %rem3A = arith.remsi %scan3A_8, %jit3A : i32
      %ne3A_23 = arith.constant 0 : i32
      %ne3A_24 = arith.cmpi ne, %rem3A, %ne3A_23 : i32
      %and3A = arith.andi %ne3A, %ne3A_24 : i1
      %sub3A = arith.constant 1 : i32
      %sub3A_25 = arith.subi %div3A, %sub3A : i32
      %select_n3A = arith.select %and3A, %sub3A_25, %div3A : i32
      %jit3A_26 = arith.constant 8 : i32
      %eq3A = arith.constant 0 : i32
      %eq3A_27 = arith.cmpi eq, %jit3A_26, %eq3A : i32
      %jit3A_28 = arith.constant 1 : i32
      %select_n3A_29 = arith.select %eq3A_27, %jit3A_28, %jit3A_26 : i32
      %rem3A_30 = arith.remsi %scan3A_8, %select_n3A_29 : i32
      %ne3A_31 = arith.constant 0 : i32
      %ne3A_32 = arith.cmpi ne, %rem3A_30, %ne3A_31 : i32
      %lt3A = arith.constant 0 : i32
      %lt3A_33 = arith.cmpi slt, %rem3A_30, %lt3A : i32
      %lt3A_34 = arith.constant 0 : i32
      %lt3A_35 = arith.cmpi slt, %select_n3A_29, %lt3A_34 : i32
      %ne3A_36 = arith.xori %lt3A_33, %lt3A_35 : i1
      %and3A_37 = arith.andi %ne3A_36, %ne3A_32 : i1
      %add3A_38 = arith.addi %rem3A_30, %select_n3A_29 : i32
      %select_n3A_39 = arith.select %and3A_37, %add3A_38, %rem3A_30 : i32
      %mul3A_40 = arith.constant 16 : i32
      %mul3A_41 = arith.muli %select_n3A_39, %mul3A_40 : i32
      %get3A = arith.index_cast %select_n3A : i32 to index
      %get3A_42 = arith.index_cast %mul3A_41 : i32 to index
      %get3A_43 = tpu.vector_load %arg6[%get3A, %get3A_42] {strides = array<i32>} : memref<79x128xi32, #tpu.memory_space<vmem>>, vector<16xi32>,
      %get3A_44 = arith.index_cast %select_n3A : i32 to index
      %get3A_45 = arith.index_cast %mul3A_41 : i32 to index
      %get3A_46 = tpu.vector_load %arg7[%get3A_44, %get3A_45] {strides = array<i32>} : memref<79x128xi32, #tpu.memory_space<vmem>>, vector<16xi32>,
      %gather3A = tpu.vector_load_idx %arg8[%get3A_43] : memref<10240xf32, #tpu.memory_space<vmem>>[vector<16xi32>], vector<16xf32>,
      %gather3A_47 = tpu.vector_load_idx %arg9[%get3A_46] : memref<10240xf32, #tpu.memory_space<vmem>>[vector<16xi32>], vector<16xf32>,
      %add3A_48 = arith.addf %gather3A, %gather3A_47 : vector<16xf32>
      %neg3A = arith.constant 0.000000e+00 : f32
      %neg3A_49 = vector.broadcast %neg3A : f32 to vector<16xf32>
      %neg3A_50 = arith.subf %neg3A_49, %add3A_48 : vector<16xf32>
      %exp3A = math.exp %neg3A_50 : vector<16xf32>
      %add3A_51 = arith.constant 1.000000e+00 : f32
      %add3A_52 = vector.broadcast %add3A_51 : f32 to vector<16xf32>
      %add3A_53 = arith.addf %add3A_52, %exp3A : vector<16xf32>
      %div3A_54 = arith.constant 1.000000e+00 : f32
      %div3A_55 = vector.broadcast %div3A_54 : f32 to vector<16xf32>
      %div3A_56 = arith.divf %div3A_55, %add3A_53 : vector<16xf32>
      %swap3A = arith.index_cast %select_n3A : i32 to index
      %swap3A_57 = arith.index_cast %mul3A_41 : i32 to index
      %swap3A_58 = tpu.vector_load %arg10[%swap3A, %swap3A_57] {strides = array<i32>} : memref<79x128xf32, #tpu.memory_space<vmem>>, vector<16xf32>,
      tpu.vector_store %arg10[%swap3A, %swap3A_57], %div3A_56 {strides = array<i32>} : memref<79x128xf32, #tpu.memory_space<vmem>>, vector<16xf32>,
      %scan3A_59 = arith.constant 0 : i32
      scf.yield %scan3A_59 : i32
    }
    %scan3A_7 = arith.constant 632 : i32
    "tpu.region"() ({
      %run_scoped3A_8 = tpu.sem_alloc : memref<!tpu.dma_semaphore, #tpu.memory_space<semaphore_mem>>
      %dma_start3A = arith.constant 0 : i32
      %dma_start3A_9 = arith.constant 0 : i32
      %dma_start3A_10 = tpu.memref_slice %arg5[%add3A, %dma_start3A, %dma_start3A_9] : memref<32x79x128xf32, #tpu.memory_space<hbm>> -> memref<1x79x128xf32, #tpu.memory_space<hbm>>
      %dma_start3A_11 = tpu.memref_squeeze %dma_start3A_10 : memref<1x79x128xf32, #tpu.memory_space<hbm>> -> memref<79x128xf32, #tpu.memory_space<hbm>>
      %dma_start3A_12 = arith.constant 0 : i32
      %dma_start3A_13 = arith.constant 0 : i32
      %dma_start3A_14 = tpu.memref_slice %arg5[%add3A, %dma_start3A_12, %dma_start3A_13] : memref<32x79x128xf32, #tpu.memory_space<hbm>> -> memref<1x79x128xf32, #tpu.memory_space<hbm>>
      %dma_start3A_15 = tpu.memref_squeeze %dma_start3A_14 : memref<1x79x128xf32, #tpu.memory_space<hbm>> -> memref<79x128xf32, #tpu.memory_space<hbm>>
      tpu.enqueue_dma source(%arg10 : memref<79x128xf32, #tpu.memory_space<vmem>>) target(%dma_start3A_15 : memref<79x128xf32, #tpu.memory_space<hbm>>) target_semaphore(%run_scoped3A_8 : memref<!tpu.dma_semaphore, #tpu.memory_space<semaphore_mem>>)
      %dma_wait3A = arith.constant 0 : i32
      %dma_wait3A_16 = arith.constant 0 : i32
      %dma_wait3A_17 = tpu.memref_slice %arg5[%add3A, %dma_wait3A, %dma_wait3A_16] : memref<32x79x128xf32, #tpu.memory_space<hbm>> -> memref<1x79x128xf32, #tpu.memory_space<hbm>>
      %dma_wait3A_18 = tpu.memref_squeeze %dma_wait3A_17 : memref<1x79x128xf32, #tpu.memory_space<hbm>> -> memref<79x128xf32, #tpu.memory_space<hbm>>
      %dma_wait3A_19 = arith.constant 0 : i32
      %dma_wait3A_20 = arith.constant 0 : i32
      %dma_wait3A_21 = tpu.memref_slice %arg5[%add3A, %dma_wait3A_19, %dma_wait3A_20] : memref<32x79x128xf32, #tpu.memory_space<hbm>> -> memref<1x79x128xf32, #tpu.memory_space<hbm>>
      %dma_wait3A_22 = tpu.memref_squeeze %dma_wait3A_21 : memref<1x79x128xf32, #tpu.memory_space<hbm>> -> memref<79x128xf32, #tpu.memory_space<hbm>>
      tpu.wait_dma2 semaphore(%run_scoped3A_8 : memref<!tpu.dma_semaphore, #tpu.memory_space<semaphore_mem>>) src(%arg10 : memref<79x128xf32, #tpu.memory_space<vmem>>) dst(%dma_wait3A_22 : memref<79x128xf32, #tpu.memory_space<hbm>>)
      tpu.yield
    }) : () -> ()
    return
  }
}

module attributes {stable_mosaic.version = 14 : i64} {
  func.func @_tc1_body(%arg0: i32, %arg1: memref<1000x2xf32, #tpu.memory_space<vmem>>, %arg2: memref<1000x128xf32, #tpu.memory_space<vmem>>, %arg3: memref<128x128xf32, #tpu.memory_space<vmem>>, %arg4: memref<1x128xf32, #tpu.memory_space<vmem>>, %arg5: memref<128x128xf32, #tpu.memory_space<vmem>>, %arg6: memref<1000x128xf32, #tpu.memory_space<vmem>>) attributes {dimension_semantics = [#tpu.dimension_semantics<arbitrary>], iteration_bounds = array<i64: 10>, scalar_prefetch = 0 : i64, scratch_operands = 0 : i64, tpu.core_type = #tpu.core_type<tc>, window_params = [{transform_indices = @transform_0, window_bounds = array<i64: 1000, 2>}, {transform_indices = @transform_1, window_bounds = array<i64: 1000, 128>}, {pipeline_mode = #tpu.pipeline_mode<synchronous>, transform_indices = @transform_2, window_bounds = array<i64: 128, 128>}, {pipeline_mode = #tpu.pipeline_mode<synchronous>, transform_indices = @transform_3, window_bounds = array<i64: 1, 128>}, {pipeline_mode = #tpu.pipeline_mode<synchronous>, transform_indices = @transform_4, window_bounds = array<i64: 128, 128>}, {transform_indices = @transform_5, window_bounds = array<i64: 1000, 128>}]} {
    %get3A = arith.constant 0 : index
    %get3A_0 = arith.constant 0 : index
    %get3A_1 = vector.load %arg1[%get3A, %get3A_0] : memref<1000x2xf32, #tpu.memory_space<vmem>>, vector<1000x1xf32>
    %get3A_2 = vector.shape_cast %get3A_1 : vector<1000x1xf32> to vector<1000xf32>
    %get3A_3 = arith.constant 0 : index
    %get3A_4 = arith.constant 1 : index
    %get3A_5 = vector.load %arg1[%get3A_3, %get3A_4] : memref<1000x2xf32, #tpu.memory_space<vmem>>, vector<1000x1xf32>
    %get3A_6 = vector.shape_cast %get3A_5 : vector<1000x1xf32> to vector<1000xf32>
    %add3A = arith.addf %get3A_2, %get3A_6 : vector<1000xf32>
    %add3A_7 = arith.constant 1.000000e+00 : f32
    %add3A_8 = vector.broadcast %add3A_7 : f32 to vector<1000xf32>
    %add3A_9 = arith.addf %add3A, %add3A_8 : vector<1000xf32>
    %rsqrt3A = math.rsqrt %add3A_9 : vector<1000xf32>
    %get3A_10 = arith.constant 0 : index
    %get3A_11 = arith.constant 0 : index
    %get3A_12 = vector.load %arg2[%get3A_10, %get3A_11] : memref<1000x128xf32, #tpu.memory_space<vmem>>, vector<1000x128xf32>
    %get3A_13 = arith.constant 0 : index
    %get3A_14 = arith.constant 0 : index
    %get3A_15 = vector.load %arg3[%get3A_13, %get3A_14] : memref<128x128xf32, #tpu.memory_space<vmem>>, vector<128x128xf32>
    %dot_general3A = arith.constant dense<0.000000e+00> : vector<1000x128xf32>
    %dot_general3A_16 = tpu.matmul %get3A_12, %get3A_15, %dot_general3A {dimension_numbers = #tpu.dot_dimension_numbers<[1], [0], [0], [1], [0, 0, 1, 1], [], []>, precision = #tpu.contract_precision<fp32>, transpose_lhs_hint = false} : vector<1000x128xf32>, vector<128x128xf32>, vector<1000x128xf32> -> vector<1000x128xf32>
    %get3A_17 = arith.constant 0 : index
    %get3A_18 = arith.constant 0 : index
    %get3A_19 = vector.load %arg4[%get3A_17, %get3A_18] : memref<1x128xf32, #tpu.memory_space<vmem>>, vector<1x128xf32>
    %add3A_20 = vector.broadcast %get3A_19 : vector<1x128xf32> to vector<1000x128xf32>
    %add3A_21 = arith.addf %dot_general3A_16, %add3A_20 : vector<1000x128xf32>
    %get3A_22 = arith.constant 0 : index
    %get3A_23 = arith.constant 0 : index
    %get3A_24 = vector.load %arg5[%get3A_22, %get3A_23] : memref<128x128xf32, #tpu.memory_space<vmem>>, vector<128x128xf32>
    %dot_general3A_25 = arith.constant dense<0.000000e+00> : vector<1000x128xf32>
    %dot_general3A_26 = tpu.matmul %add3A_21, %get3A_24, %dot_general3A_25 {dimension_numbers = #tpu.dot_dimension_numbers<[1], [0], [0], [1], [0, 0, 1, 1], [], []>, precision = #tpu.contract_precision<fp32>, transpose_lhs_hint = false} : vector<1000x128xf32>, vector<128x128xf32>, vector<1000x128xf32> -> vector<1000x128xf32>
    %broadcast_in_dim3A = vector.shape_cast %rsqrt3A : vector<1000xf32> to vector<1000x1xf32>
    %mul3A = vector.broadcast %broadcast_in_dim3A : vector<1000x1xf32> to vector<1000x128xf32>
    %mul3A_27 = arith.mulf %mul3A, %dot_general3A_26 : vector<1000x128xf32>
    %swap3A = arith.constant 0 : index
    %swap3A_28 = arith.constant 0 : index
    %swap3A_29 = vector.load %arg6[%swap3A, %swap3A_28] : memref<1000x128xf32, #tpu.memory_space<vmem>>, vector<1000x128xf32>
    tpu.vector_store %arg6[%swap3A, %swap3A_28], %mul3A_27 {strides = array<i32>} : memref<1000x128xf32, #tpu.memory_space<vmem>>, vector<1000x128xf32>,
    return
  }
  func.func @transform_0(%arg0: i32) -> (i32, i32) {
    %c0_i32 = arith.constant 0 : i32
    %c0_i32_0 = arith.constant 0 : i32
    return %arg0, %c0_i32 : i32, i32
  }
  func.func @transform_1(%arg0: i32) -> (i32, i32) {
    %c0_i32 = arith.constant 0 : i32
    %c0_i32_0 = arith.constant 0 : i32
    return %arg0, %c0_i32 : i32, i32
  }
  func.func @transform_2(%arg0: i32) -> (i32, i32) {
    %c0_i32 = arith.constant 0 : i32
    %c0_i32_0 = arith.constant 0 : i32
    %c0_i32_1 = arith.constant 0 : i32
    return %c0_i32, %c0_i32_0 : i32, i32
  }
  func.func @transform_3(%arg0: i32) -> (i32, i32) {
    %c0_i32 = arith.constant 0 : i32
    %c0_i32_0 = arith.constant 0 : i32
    %c0_i32_1 = arith.constant 0 : i32
    return %c0_i32, %c0_i32_0 : i32, i32
  }
  func.func @transform_4(%arg0: i32) -> (i32, i32) {
    %c0_i32 = arith.constant 0 : i32
    %c0_i32_0 = arith.constant 0 : i32
    %c0_i32_1 = arith.constant 0 : i32
    return %c0_i32, %c0_i32_0 : i32, i32
  }
  func.func @transform_5(%arg0: i32) -> (i32, i32) {
    %c0_i32 = arith.constant 0 : i32
    %c0_i32_0 = arith.constant 0 : i32
    return %arg0, %c0_i32 : i32, i32
  }
}

module attributes {stable_mosaic.version = 14 : i64} {
  func.func @_tc2_body(%arg0: i32, %arg1: memref<1000x2xf32, #tpu.memory_space<vmem>>, %arg2: memref<2x1000x128xf32, #tpu.memory_space<vmem>>, %arg3: memref<1000x128xf32, #tpu.memory_space<vmem>>, %arg4: memref<1x128xf32, #tpu.memory_space<vmem>>, %arg5: memref<128x128xf32, #tpu.memory_space<vmem>>, %arg6: memref<1000x128xf32, #tpu.memory_space<vmem>>) attributes {dimension_semantics = [#tpu.dimension_semantics<arbitrary>], iteration_bounds = array<i64: 10>, scalar_prefetch = 0 : i64, scratch_operands = 0 : i64, tpu.core_type = #tpu.core_type<tc>, window_params = [{transform_indices = @transform_0, window_bounds = array<i64: 1000, 2>}, {transform_indices = @transform_1, window_bounds = array<i64: 2, 1000, 128>}, {transform_indices = @transform_2, window_bounds = array<i64: 1000, 128>}, {pipeline_mode = #tpu.pipeline_mode<synchronous>, transform_indices = @transform_3, window_bounds = array<i64: 1, 128>}, {pipeline_mode = #tpu.pipeline_mode<synchronous>, transform_indices = @transform_4, window_bounds = array<i64: 128, 128>}, {transform_indices = @transform_5, window_bounds = array<i64: 1000, 128>}]} {
    %get3A = arith.constant 0 : index
    %get3A_0 = arith.constant 0 : index
    %get3A_1 = vector.load %arg1[%get3A, %get3A_0] : memref<1000x2xf32, #tpu.memory_space<vmem>>, vector<1000x1xf32>
    %get3A_2 = vector.shape_cast %get3A_1 : vector<1000x1xf32> to vector<1000xf32>
    %get3A_3 = arith.constant 0 : index
    %get3A_4 = arith.constant 1 : index
    %get3A_5 = vector.load %arg1[%get3A_3, %get3A_4] : memref<1000x2xf32, #tpu.memory_space<vmem>>, vector<1000x1xf32>
    %get3A_6 = vector.shape_cast %get3A_5 : vector<1000x1xf32> to vector<1000xf32>
    %add3A = arith.addf %get3A_2, %get3A_6 : vector<1000xf32>
    %add3A_7 = arith.constant 1.000000e+00 : f32
    %add3A_8 = vector.broadcast %add3A_7 : f32 to vector<1000xf32>
    %add3A_9 = arith.addf %add3A, %add3A_8 : vector<1000xf32>
    %rsqrt3A = math.rsqrt %add3A_9 : vector<1000xf32>
    %get3A_10 = arith.constant 0 : index
    %get3A_11 = arith.constant 0 : index
    %get3A_12 = arith.constant 0 : index
    %get3A_13 = vector.load %arg2[%get3A_10, %get3A_11, %get3A_12] : memref<2x1000x128xf32, #tpu.memory_space<vmem>>, vector<1x1000x128xf32>
    %get3A_14 = vector.shape_cast %get3A_13 : vector<1x1000x128xf32> to vector<1000x128xf32>
    %get3A_15 = arith.constant 1 : index
    %get3A_16 = arith.constant 0 : index
    %get3A_17 = arith.constant 0 : index
    %get3A_18 = vector.load %arg2[%get3A_15, %get3A_16, %get3A_17] : memref<2x1000x128xf32, #tpu.memory_space<vmem>>, vector<1x1000x128xf32>
    %get3A_19 = vector.shape_cast %get3A_18 : vector<1x1000x128xf32> to vector<1000x128xf32>
    %add3A_20 = arith.addf %get3A_14, %get3A_19 : vector<1000x128xf32>
    %get3A_21 = arith.constant 0 : index
    %get3A_22 = arith.constant 0 : index
    %get3A_23 = vector.load %arg3[%get3A_21, %get3A_22] : memref<1000x128xf32, #tpu.memory_space<vmem>>, vector<1000x128xf32>
    %add3A_24 = arith.addf %add3A_20, %get3A_23 : vector<1000x128xf32>
    %broadcast_in_dim3A = vector.shape_cast %rsqrt3A : vector<1000xf32> to vector<1000x1xf32>
    %mul3A = vector.broadcast %broadcast_in_dim3A : vector<1000x1xf32> to vector<1000x128xf32>
    %mul3A_25 = arith.mulf %mul3A, %add3A_24 : vector<1000x128xf32>
    %get3A_26 = arith.constant 0 : index
    %get3A_27 = arith.constant 0 : index
    %get3A_28 = vector.load %arg4[%get3A_26, %get3A_27] : memref<1x128xf32, #tpu.memory_space<vmem>>, vector<1x128xf32>
    %add3A_29 = vector.broadcast %get3A_28 : vector<1x128xf32> to vector<1000x128xf32>
    %add3A_30 = arith.addf %mul3A_25, %add3A_29 : vector<1000x128xf32>
    %max3A = arith.constant 0.000000e+00 : f32
    %max3A_31 = vector.broadcast %max3A : f32 to vector<1000x128xf32>
    %max3A_32 = arith.maximumf %add3A_30, %max3A_31 : vector<1000x128xf32>
    %get3A_33 = arith.constant 0 : index
    %get3A_34 = arith.constant 0 : index
    %get3A_35 = vector.load %arg5[%get3A_33, %get3A_34] : memref<128x128xf32, #tpu.memory_space<vmem>>, vector<128x128xf32>
    %dot_general3A = arith.constant dense<0.000000e+00> : vector<1000x128xf32>
    %dot_general3A_36 = tpu.matmul %max3A_32, %get3A_35, %dot_general3A {dimension_numbers = #tpu.dot_dimension_numbers<[1], [0], [0], [1], [0, 0, 1, 1], [], []>, precision = #tpu.contract_precision<fp32>, transpose_lhs_hint = false} : vector<1000x128xf32>, vector<128x128xf32>, vector<1000x128xf32> -> vector<1000x128xf32>
    %broadcast_in_dim3A_37 = vector.shape_cast %rsqrt3A : vector<1000xf32> to vector<1000x1xf32>
    %mul3A_38 = vector.broadcast %broadcast_in_dim3A_37 : vector<1000x1xf32> to vector<1000x128xf32>
    %mul3A_39 = arith.mulf %mul3A_38, %dot_general3A_36 : vector<1000x128xf32>
    %swap3A = arith.constant 0 : index
    %swap3A_40 = arith.constant 0 : index
    %swap3A_41 = vector.load %arg6[%swap3A, %swap3A_40] : memref<1000x128xf32, #tpu.memory_space<vmem>>, vector<1000x128xf32>
    tpu.vector_store %arg6[%swap3A, %swap3A_40], %mul3A_39 {strides = array<i32>} : memref<1000x128xf32, #tpu.memory_space<vmem>>, vector<1000x128xf32>,
    return
  }
  func.func @transform_0(%arg0: i32) -> (i32, i32) {
    %c0_i32 = arith.constant 0 : i32
    %c0_i32_0 = arith.constant 0 : i32
    return %arg0, %c0_i32 : i32, i32
  }
  func.func @transform_1(%arg0: i32) -> (i32, i32, i32) {
    %c0_i32 = arith.constant 0 : i32
    %c0_i32_0 = arith.constant 0 : i32
    %c0_i32_1 = arith.constant 0 : i32
    return %c0_i32, %arg0, %c0_i32_0 : i32, i32, i32
  }
  func.func @transform_2(%arg0: i32) -> (i32, i32) {
    %c0_i32 = arith.constant 0 : i32
    %c0_i32_0 = arith.constant 0 : i32
    return %arg0, %c0_i32 : i32, i32
  }
  func.func @transform_3(%arg0: i32) -> (i32, i32) {
    %c0_i32 = arith.constant 0 : i32
    %c0_i32_0 = arith.constant 0 : i32
    %c0_i32_1 = arith.constant 0 : i32
    return %c0_i32, %c0_i32_0 : i32, i32
  }
  func.func @transform_4(%arg0: i32) -> (i32, i32) {
    %c0_i32 = arith.constant 0 : i32
    %c0_i32_0 = arith.constant 0 : i32
    %c0_i32_1 = arith.constant 0 : i32
    return %c0_i32, %c0_i32_0 : i32, i32
  }
  func.func @transform_5(%arg0: i32) -> (i32, i32) {
    %c0_i32 = arith.constant 0 : i32
    %c0_i32_0 = arith.constant 0 : i32
    return %arg0, %c0_i32 : i32, i32
  }
}

module attributes {stable_mosaic.version = 14 : i64} {
  func.func @_tc3_body(%arg0: i32, %arg1: memref<1000x2xf32, #tpu.memory_space<vmem>>, %arg2: memref<2x1000x128xf32, #tpu.memory_space<vmem>>, %arg3: memref<1000x128xf32, #tpu.memory_space<vmem>>, %arg4: memref<1x128xf32, #tpu.memory_space<vmem>>, %arg5: memref<128x1xf32, #tpu.memory_space<vmem>>, %arg6: memref<1x1xf32, #tpu.memory_space<vmem>>, %arg7: memref<128x2xf32, #tpu.memory_space<vmem>>, %arg8: memref<1x2xf32, #tpu.memory_space<vmem>>, %arg9: memref<1000x1xf32, #tpu.memory_space<vmem>>, %arg10: memref<1000x2xf32, #tpu.memory_space<vmem>>) attributes {dimension_semantics = [#tpu.dimension_semantics<arbitrary>], iteration_bounds = array<i64: 10>, scalar_prefetch = 0 : i64, scratch_operands = 0 : i64, tpu.core_type = #tpu.core_type<tc>, window_params = [{transform_indices = @transform_0, window_bounds = array<i64: 1000, 2>}, {transform_indices = @transform_1, window_bounds = array<i64: 2, 1000, 128>}, {transform_indices = @transform_2, window_bounds = array<i64: 1000, 128>}, {pipeline_mode = #tpu.pipeline_mode<synchronous>, transform_indices = @transform_3, window_bounds = array<i64: 1, 128>}, {pipeline_mode = #tpu.pipeline_mode<synchronous>, transform_indices = @transform_4, window_bounds = array<i64: 128, 1>}, {pipeline_mode = #tpu.pipeline_mode<synchronous>, transform_indices = @transform_5, window_bounds = array<i64: 1, 1>}, {pipeline_mode = #tpu.pipeline_mode<synchronous>, transform_indices = @transform_6, window_bounds = array<i64: 128, 2>}, {pipeline_mode = #tpu.pipeline_mode<synchronous>, transform_indices = @transform_7, window_bounds = array<i64: 1, 2>}, {transform_indices = @transform_8, window_bounds = array<i64: 1000, 1>}, {transform_indices = @transform_9, window_bounds = array<i64: 1000, 2>}]} {
    %get3A = arith.constant 0 : index
    %get3A_0 = arith.constant 0 : index
    %get3A_1 = vector.load %arg1[%get3A, %get3A_0] : memref<1000x2xf32, #tpu.memory_space<vmem>>, vector<1000x1xf32>
    %get3A_2 = vector.shape_cast %get3A_1 : vector<1000x1xf32> to vector<1000xf32>
    %get3A_3 = arith.constant 0 : index
    %get3A_4 = arith.constant 1 : index
    %get3A_5 = vector.load %arg1[%get3A_3, %get3A_4] : memref<1000x2xf32, #tpu.memory_space<vmem>>, vector<1000x1xf32>
    %get3A_6 = vector.shape_cast %get3A_5 : vector<1000x1xf32> to vector<1000xf32>
    %add3A = arith.addf %get3A_2, %get3A_6 : vector<1000xf32>
    %add3A_7 = arith.constant 1.000000e+00 : f32
    %add3A_8 = vector.broadcast %add3A_7 : f32 to vector<1000xf32>
    %add3A_9 = arith.addf %add3A, %add3A_8 : vector<1000xf32>
    %rsqrt3A = math.rsqrt %add3A_9 : vector<1000xf32>
    %get3A_10 = arith.constant 0 : index
    %get3A_11 = arith.constant 0 : index
    %get3A_12 = arith.constant 0 : index
    %get3A_13 = vector.load %arg2[%get3A_10, %get3A_11, %get3A_12] : memref<2x1000x128xf32, #tpu.memory_space<vmem>>, vector<1x1000x128xf32>
    %get3A_14 = vector.shape_cast %get3A_13 : vector<1x1000x128xf32> to vector<1000x128xf32>
    %get3A_15 = arith.constant 1 : index
    %get3A_16 = arith.constant 0 : index
    %get3A_17 = arith.constant 0 : index
    %get3A_18 = vector.load %arg2[%get3A_15, %get3A_16, %get3A_17] : memref<2x1000x128xf32, #tpu.memory_space<vmem>>, vector<1x1000x128xf32>
    %get3A_19 = vector.shape_cast %get3A_18 : vector<1x1000x128xf32> to vector<1000x128xf32>
    %add3A_20 = arith.addf %get3A_14, %get3A_19 : vector<1000x128xf32>
    %get3A_21 = arith.constant 0 : index
    %get3A_22 = arith.constant 0 : index
    %get3A_23 = vector.load %arg3[%get3A_21, %get3A_22] : memref<1000x128xf32, #tpu.memory_space<vmem>>, vector<1000x128xf32>
    %add3A_24 = arith.addf %add3A_20, %get3A_23 : vector<1000x128xf32>
    %broadcast_in_dim3A = vector.shape_cast %rsqrt3A : vector<1000xf32> to vector<1000x1xf32>
    %mul3A = vector.broadcast %broadcast_in_dim3A : vector<1000x1xf32> to vector<1000x128xf32>
    %mul3A_25 = arith.mulf %mul3A, %add3A_24 : vector<1000x128xf32>
    %get3A_26 = arith.constant 0 : index
    %get3A_27 = arith.constant 0 : index
    %get3A_28 = vector.load %arg4[%get3A_26, %get3A_27] : memref<1x128xf32, #tpu.memory_space<vmem>>, vector<1x128xf32>
    %add3A_29 = vector.broadcast %get3A_28 : vector<1x128xf32> to vector<1000x128xf32>
    %add3A_30 = arith.addf %mul3A_25, %add3A_29 : vector<1000x128xf32>
    %max3A = arith.constant 0.000000e+00 : f32
    %max3A_31 = vector.broadcast %max3A : f32 to vector<1000x128xf32>
    %max3A_32 = arith.maximumf %add3A_30, %max3A_31 : vector<1000x128xf32>
    %get3A_33 = arith.constant 0 : index
    %get3A_34 = arith.constant 0 : index
    %get3A_35 = vector.load %arg5[%get3A_33, %get3A_34] : memref<128x1xf32, #tpu.memory_space<vmem>>, vector<128x1xf32>
    %dot_general3A = arith.constant dense<0.000000e+00> : vector<1000x1xf32>
    %dot_general3A_36 = tpu.matmul %max3A_32, %get3A_35, %dot_general3A {dimension_numbers = #tpu.dot_dimension_numbers<[1], [0], [0], [1], [0, 0, 1, 1], [], []>, precision = #tpu.contract_precision<fp32>, transpose_lhs_hint = false} : vector<1000x128xf32>, vector<128x1xf32>, vector<1000x1xf32> -> vector<1000x1xf32>
    %get3A_37 = arith.constant 0 : index
    %get3A_38 = arith.constant 0 : index
    %get3A_39 = vector.load %arg6[%get3A_37, %get3A_38] : memref<1x1xf32, #tpu.memory_space<vmem>>, vector<1x1xf32>
    %add3A_40 = vector.broadcast %get3A_39 : vector<1x1xf32> to vector<1000x1xf32>
    %add3A_41 = arith.addf %dot_general3A_36, %add3A_40 : vector<1000x1xf32>
    %neg3A = arith.constant 0.000000e+00 : f32
    %neg3A_42 = vector.broadcast %neg3A : f32 to vector<1000x1xf32>
    %neg3A_43 = arith.subf %neg3A_42, %add3A_41 : vector<1000x1xf32>
    %exp3A = math.exp %neg3A_43 : vector<1000x1xf32>
    %add3A_44 = arith.constant 1.000000e+00 : f32
    %add3A_45 = vector.broadcast %add3A_44 : f32 to vector<1000x1xf32>
    %add3A_46 = arith.addf %add3A_45, %exp3A : vector<1000x1xf32>
    %div3A = arith.constant 1.000000e+00 : f32
    %div3A_47 = vector.broadcast %div3A : f32 to vector<1000x1xf32>
    %div3A_48 = arith.divf %div3A_47, %add3A_46 : vector<1000x1xf32>
    %swap3A = arith.constant 0 : index
    %swap3A_49 = arith.constant 0 : index
    %swap3A_50 = vector.load %arg9[%swap3A, %swap3A_49] : memref<1000x1xf32, #tpu.memory_space<vmem>>, vector<1000x1xf32>
    tpu.vector_store %arg9[%swap3A, %swap3A_49], %div3A_48 {strides = array<i32>} : memref<1000x1xf32, #tpu.memory_space<vmem>>, vector<1000x1xf32>,
    %get3A_51 = arith.constant 0 : index
    %get3A_52 = arith.constant 0 : index
    %get3A_53 = vector.load %arg7[%get3A_51, %get3A_52] : memref<128x2xf32, #tpu.memory_space<vmem>>, vector<128x2xf32>
    %dot_general3A_54 = arith.constant dense<0.000000e+00> : vector<1000x2xf32>
    %dot_general3A_55 = tpu.matmul %max3A_32, %get3A_53, %dot_general3A_54 {dimension_numbers = #tpu.dot_dimension_numbers<[1], [0], [0], [1], [0, 0, 1, 1], [], []>, precision = #tpu.contract_precision<fp32>, transpose_lhs_hint = false} : vector<1000x128xf32>, vector<128x2xf32>, vector<1000x2xf32> -> vector<1000x2xf32>
    %get3A_56 = arith.constant 0 : index
    %get3A_57 = arith.constant 0 : index
    %get3A_58 = vector.load %arg8[%get3A_56, %get3A_57] : memref<1x2xf32, #tpu.memory_space<vmem>>, vector<1x2xf32>
    %add3A_59 = vector.broadcast %get3A_58 : vector<1x2xf32> to vector<1000x2xf32>
    %add3A_60 = arith.addf %dot_general3A_55, %add3A_59 : vector<1000x2xf32>
    %swap3A_61 = arith.constant 0 : index
    %swap3A_62 = arith.constant 0 : index
    %swap3A_63 = vector.load %arg10[%swap3A_61, %swap3A_62] : memref<1000x2xf32, #tpu.memory_space<vmem>>, vector<1000x2xf32>
    tpu.vector_store %arg10[%swap3A_61, %swap3A_62], %add3A_60 {strides = array<i32>} : memref<1000x2xf32, #tpu.memory_space<vmem>>, vector<1000x2xf32>,
    return
  }
  func.func @transform_0(%arg0: i32) -> (i32, i32) {
    %c0_i32 = arith.constant 0 : i32
    %c0_i32_0 = arith.constant 0 : i32
    return %arg0, %c0_i32 : i32, i32
  }
  func.func @transform_1(%arg0: i32) -> (i32, i32, i32) {
    %c0_i32 = arith.constant 0 : i32
    %c0_i32_0 = arith.constant 0 : i32
    %c0_i32_1 = arith.constant 0 : i32
    return %c0_i32, %arg0, %c0_i32_0 : i32, i32, i32
  }
  func.func @transform_2(%arg0: i32) -> (i32, i32) {
    %c0_i32 = arith.constant 0 : i32
    %c0_i32_0 = arith.constant 0 : i32
    return %arg0, %c0_i32 : i32, i32
  }
  func.func @transform_3(%arg0: i32) -> (i32, i32) {
    %c0_i32 = arith.constant 0 : i32
    %c0_i32_0 = arith.constant 0 : i32
    %c0_i32_1 = arith.constant 0 : i32
    return %c0_i32, %c0_i32_0 : i32, i32
  }
  func.func @transform_4(%arg0: i32) -> (i32, i32) {
    %c0_i32 = arith.constant 0 : i32
    %c0_i32_0 = arith.constant 0 : i32
    %c0_i32_1 = arith.constant 0 : i32
    return %c0_i32, %c0_i32_0 : i32, i32
  }
  func.func @transform_5(%arg0: i32) -> (i32, i32) {
    %c0_i32 = arith.constant 0 : i32
    %c0_i32_0 = arith.constant 0 : i32
    %c0_i32_1 = arith.constant 0 : i32
    return %c0_i32, %c0_i32_0 : i32, i32
  }
  func.func @transform_6(%arg0: i32) -> (i32, i32) {
    %c0_i32 = arith.constant 0 : i32
    %c0_i32_0 = arith.constant 0 : i32
    %c0_i32_1 = arith.constant 0 : i32
    return %c0_i32, %c0_i32_0 : i32, i32
  }
  func.func @transform_7(%arg0: i32) -> (i32, i32) {
    %c0_i32 = arith.constant 0 : i32
    %c0_i32_0 = arith.constant 0 : i32
    %c0_i32_1 = arith.constant 0 : i32
    return %c0_i32, %c0_i32_0 : i32, i32
  }
  func.func @transform_8(%arg0: i32) -> (i32, i32) {
    %c0_i32 = arith.constant 0 : i32
    %c0_i32_0 = arith.constant 0 : i32
    return %arg0, %c0_i32 : i32, i32
  }
  func.func @transform_9(%arg0: i32) -> (i32, i32) {
    %c0_i32 = arith.constant 0 : i32
    %c0_i32_0 = arith.constant 0 : i32
    return %arg0, %c0_i32 : i32, i32
  }
}

</mosaic_0001>

<sc_bundles>
// kernel: kernel.12.cloned.1.call-start
scs
__scs_entry_jumppad:
0x0: {  	(pc) =	sbr.rel $0x88, $3  }
0x1: {  	(tag) =	ssettag $0x0;
	lr =	simm.s32 $0x1  }
0x2: {  	[smem:$0x3F95] =	sst lr;
	_ =	strace $0xD0000000  }
0x3: {  	_ = 	snop  }
0x4: {  	_ = 	snop  }
0x5: {  	_ = 	snop  }
0x6: {  	_ = 	snop  }
0x7: {  	_ = 	snop  }
__scs_overlays_trampoline_lowered:
0x8: {  	[smem:$0x3FA4] =	sst s0  }
0x9: {  	[smem:$0x3FA5] =	sst s1  }
0xa: {  	[smem:$0x3FA6] =	sst s2  }
0xb: {  	[smem:$0x3FA7] =	sst s3  }
0xc: {  	[smem:$0x3FA8] =	sst s4  }
0xd: {  	[smem:$0x3FA9] =	sst s5  }
0xe: {  	[smem:$0x3FAA] =	sst s6  }
0xf: {  	[smem:$0x3FAB] =	sst s7  }
0x10: {  	[smem:$0x3FAC] =	sst s8  }
0x11: {  	[smem:$0x3FAD] =	sst s9;
	s0 =	simm.s32 @!p0 $0x0  }
0x12: {  	s1 =	sld [smem:$0x3F93];
	s0 =	simm.s32 @p0 $0x1  }
0x13: {  	[smem:$0x3FAE] =	sst s0;
	s0 =	simm.s32 @!p1 $0x0  }
0x14: {  	s2 =	sld [smem:$0x3F92];
	s0 =	simm.s32 @p1 $0x1  }
0x15: {  	[smem:$0x3FAF] =	sst s0;
	s0 =	simm.s32 @!p2 $0x0  }
0x16: {  	s3 =	sld [smem:$0x3FDB];
	s0 =	simm.s32 @p2 $0x1  }
0x17: {  	s4 =	simm.s32 $0x1BF5;
	[smem:$0x3FB1] =	sst s0  }
0x18: {  	s0 =	sld [smem:$0x3F94];
	_ =	swait.ge [sflag:s4], $0x0  }
0x19: {  	s7 =	sld [smem:$0x3F95]  }
0x1a: {  	s8 =	sadd.s32 $0xFFFFE003, lr  }
0x1b: {  	s9 =	sadd.s32 $0xFFFFFEF7, lr;
	s5 =	simm.s32 $0xFFFFFFFF;
	p2 =	slt.u32 s8, $0xFFFFF086  }
0x1c: {  	p1 =	slt.u32 s9, $0xF7A;
	s5 =	simm.s32 @!p2 $0x0  }
0x1d: {  	s5 =	simm.s32 @p1 $0x1;
	p0 =	seq.s32 s7, s2  }
0x1e: {  	s7 =	smul.u32 @!p0 $0xF7A, s2;
	p2 =	seq.s32 @!p0 s5, $0x0  }
0x1f: {  	s9 =	smul.u32 $0xF7A, s1;
	s8 =	simm.s32 @!p0 $0x1BF5;
	p2 =	por !p2, p0  }
0x20: {  	[sflag:s8] =	ssyncset.s32 @!p0 $0xFFFFF086;
	s6 =	sadd.s32 @!p0 s3, s7;
	s7 =	simm.s32 @!p0 $0x108  }
0x21: {  	s3 =	sadd.s32 s3, s9;
	s6 =	sadd.s32 @!p0 $0x88, s6;
	s7 =	simm.s32 @p2 $0x1082  }
0x22: {  	[simem:s7], [sflag:s8] =	dma.local @!p0 [hbm:s6], $0xF7A  }
0x23: {  	s9 =	sor.u32 $0xD0000000, s2;
	s6 =	simm.s32 $0x108;
	_ =	swait.ge @!p0 [sflag:s8], $0x0  }
0x24: {  	s3 =	sadd.s32 $0x88, s3;
	s6 =	simm.s32 @!p1 $0x1082;
	[sflag:s4] =	ssyncset.s32 $0xFFFFF086  }
0x25: {  	[simem:s6], [sflag:s4] =	dma.local [hbm:s3], $0xF7A  }
0x26: {  	[smem:$0x3F95] =	sst s1;
	(tag) =	ssettag s2;
	_ =	strace s9  }
0x27: {  	s1 =	sld [smem:$0x3FA5]  }
0x28: {  	s2 =	sld [smem:$0x3FA6]  }
0x29: {  	s4 =	sld [smem:$0x3FA8]  }
0x2a: {  	p0 =	seq.s32 s5, $0x0;
	s5 =	sld [smem:$0x3FA9]  }
0x2b: {  	s6 =	sld [smem:$0x3FAA]  }
0x2c: {  	s7 =	sld [smem:$0x3FAB]  }
0x2d: {  	s3 =	simm.s32 $0x108;
	s8 =	sld [smem:$0x3FAC]  }
0x2e: {  	s3 =	simm.s32 @!p0 $0x1082;
	s9 =	sld [smem:$0x3FAD]  }
0x2f: {  	lr =	sadd.s32 s0, s3;
	s0 =	sld [smem:$0x3FA4]  }
0x30: {  	s3 =	sld [smem:$0x3FA7]  }
0x31: {  	[smem:$0x3FB0] =	sst s10  }
0x32: {  	s10 =	sld [smem:$0x3FAE];
	_ =	sdelay $0x3  }
0x33: {  	p0 =	seq.s32 s10, $0x1;
	s10 =	sld [smem:$0x3FB0];
	_ =	sdelay $0x3  }
0x34: {  	[smem:$0x3FB0] =	sst s10  }
0x35: {  	s10 =	sld [smem:$0x3FAF];
	_ =	sdelay $0x3  }
0x36: {  	p1 =	seq.s32 s10, $0x1;
	s10 =	sld [smem:$0x3FB0];
	_ =	sdelay $0x3  }
0x37: {  	[smem:$0x3FB0] =	sst s10  }
0x38: {  	s10 =	sld [smem:$0x3FB1]  }
0x39: {  	_ = 	snop;
	(pc) =	sbr.ind lr, $3  }
0x3a: {  	_ = 	snop  }
0x3b: {  	_ = 	snop  }
0x3c: {  	p2 =	seq.s32 s10, $0x1;
	s10 =	sld [smem:$0x3FB0]  }
0x3d: {  	_ =	shalt  }
0x3e: {  	_ =	shalt  }
0x3f: {  	_ =	shalt  }
0x40: {  	_ =	shalt  }
0x41: {  	_ =	shalt  }
0x42: {  	_ =	shalt  }
0x43: {  	_ =	shalt  }
0x44: {  	_ =	shalt  }
0x45: {  	_ =	shalt  }
0x46: {  	_ =	shalt  }
0x47: {  	_ =	shalt  }
0x48: {  	_ =	shalt  }
0x49: {  	_ =	shalt  }
0x4a: {  	_ =	shalt  }
0x4b: {  	_ =	shalt  }
0x4c: {  	_ =	shalt  }
0x4d: {  	_ =	shalt  }
0x4e: {  	_ =	shalt  }
0x4f: {  	_ =	shalt  }
0x50: {  	_ =	shalt  }
0x51: {  	_ =	shalt  }
0x52: {  	_ =	shalt  }
0x53: {  	_ =	shalt  }
0x54: {  	_ =	shalt  }
0x55: {  	_ =	shalt  }
0x56: {  	_ =	shalt  }
0x57: {  	_ =	shalt  }
0x58: {  	_ =	shalt  }
0x59: {  	_ =	shalt  }
0x5a: {  	_ =	shalt  }
0x5b: {  	_ =	shalt  }
0x5c: {  	_ =	shalt  }
0x5d: {  	_ =	shalt  }
0x5e: {  	_ =	shalt  }
0x5f: {  	_ =	shalt  }
0x60: {  	_ =	shalt  }
0x61: {  	_ =	shalt  }
0x62: {  	_ =	shalt  }
0x63: {  	_ =	shalt  }
0x64: {  	_ =	shalt  }
0x65: {  	_ =	shalt  }
0x66: {  	_ =	shalt  }
0x67: {  	_ =	shalt  }
0x68: {  	_ =	shalt  }
0x69: {  	_ =	shalt  }
0x6a: {  	_ =	shalt  }
0x6b: {  	_ =	shalt  }
0x6c: {  	_ =	shalt  }
0x6d: {  	_ =	shalt  }
0x6e: {  	_ =	shalt  }
0x6f: {  	_ =	shalt  }
0x70: {  	_ =	shalt  }
0x71: {  	_ =	shalt  }
0x72: {  	_ =	shalt  }
0x73: {  	_ =	shalt  }
0x74: {  	_ =	shalt  }
0x75: {  	_ =	shalt  }
0x76: {  	_ =	shalt  }
0x77: {  	_ =	shalt  }
0x78: {  	_ =	shalt  }
0x79: {  	_ =	shalt  }
0x7a: {  	_ =	shalt  }
0x7b: {  	_ =	shalt  }
0x7c: {  	_ =	shalt  }
0x7d: {  	_ =	shalt  }
0x7e: {  	_ =	shalt  }
0x7f: {  	_ =	shalt  }
0x80: {  	_ =	shalt  }
0x81: {  	_ =	shalt  }
0x82: {  	_ =	shalt  }
0x83: {  	_ =	shalt  }
0x84: {  	_ =	shalt  }
0x85: {  	_ =	shalt  }
0x86: {  	_ =	shalt  }
0x87: {  	_ =	shalt  }
.Lfunc_end0:
.L_simem_size_0:
called_computation.1_lowered:
.L_overlay_start_0:
0x88: {  	s2 =	sld [smem:$0x3FD9]  }
0x89: {  	s3 =	sld [smem:$0x3FFE];
	_ =	sdelay $0x1  }
0x8a: {  	s1 =	srdreg.scid  }
0x8b: {  	s0 =	sand.u32 $0x1, s1  }
0x8c: {  	s16 =	sshll.u32 s0, $0xA;
	s2 =	sadd.s32 s3, s2  }
0x8d: {  	s2 =	sadd.s32 s2, s16  }
0x8e: {  	[smem:$0x3FBC] =	sst s2  }
0x8f: {  	_ = 	snop  }
0x90: {  	(tm) =	ssettm $0x1  }
0x91: {  	s17 =	sld [smem:$0x3FFB];
	_ =	sdelay $0x3  }
0x92: {  	_ =	strace s17  }
0x93: {  	s2 =	sld [smem:$0x3FFC];
	_ =	sdelay $0x3  }
0x94: {  	_ =	strace s2  }
0x95: {  	s2 =	sld [smem:$0x3FFD];
	_ =	sdelay $0x3  }
0x96: {  	_ =	strace s2  }
0x97: {  	_ =	strace $0x8FFFFFFF  }
0x98: {  	s18 =	sld [smem:$0x3FDB];
	_ =	sdelay $0x1  }
0x99: {  	s19 =	simm.s32 $_scs_section_size  }
0x9a: {  	s4 =	simm.s32 $_size__tile_overlayer_lowered;
	s5 =	simm.s32 $_tile_overlayer_lowered  }
0x9b: {  	s22 =	simm.s32 $0x1BFF;
	s21 =	sshll.u32 s5, $0x1;
	s2 =	sadd.s32 s19, s18  }
0x9c: {  	s6 =	simm.s32 $0x0;
	s20 =	sshll.u32 s4, $0x1;
	s4 =	sadd.s32 s21, s2  }
0x9d: {  	[timem:s6], [sflag:s22] =	dma.local [hbm:s4], s20  }
0x9e: {  	_ =	swait.ge [sflag:s22], s20  }
0x9f: {  	s3 =	ssub.s32 $0x0, s20;
	[sflag:s22] =	ssyncset.done $0x0  }
0xa0: {  	[sflag:s22] =	ssyncadd.s32 s3;
	_ =	sdelay $0x1  }
0xa1: {  	s23 =	simm.s32 $0x1B8B  }
0xa2: {  	_ =	swait.ge [sflag:s23], $0x1  }
0xa3: {  	[sflag:s23] =	ssyncset.done $0x0  }
0xa4: {  	s25 =	simm.s32 $0x1B8E;
	s24 =	sld [smem:$0x3FFE];
	[sflag:s23] =	ssyncadd.s32 $0xFFFFFFFF  }
0xa5: {  	s26 =	simm.s32 $execute0_lowered;
	[smem:$0x3FD2] =	sst s25  }
0xa6: {  	s4 =	sshll.u32 s26, $0x1;
	_ =	strace $0x80000049;
	[dreg:$0x1] =	wrdreg $0xFFFFFFFF  }
0xa7: {  	s28 =	simm.s32 $_size_execute0_lowered;
	s2 =	sadd.s32 s2, s4;
	[dreg:$0x0] =	wrdreg $0x0  }
0xa8: {  	s4 =	sshll.u32 s28, $0x1;
	[dreg:$0x2] =	wrdreg s2  }
0xa9: {  	[dreg:$0x3] =	wrdreg s4  }
0xaa: {  	[dreg:$0x4] =	wrdreg $0xC0  }
0xab: {  	_ =	task [dreg:s6], $0x5FFFF  }
0xac: {  	[dreg:$0x1] =	wrdreg $0xFFFFFFFF  }
0xad: {  	[dreg:$0x0] =	wrdreg $0x60  }
0xae: {  	[dreg:$0x2] =	wrdreg s24  }
0xaf: {  	[dreg:$0x3] =	wrdreg $0x90000  }
0xb0: {  	[dreg:$0x4] =	wrdreg $0x9  }
0xb1: {  	_ =	task.clear_ibuf [dreg:s6], $0x5FFFF;
	_ =	strace $0x90000049  }
0xb2: {  	s29 =	simm.s32 $0x9;
	_ =	strace $0x8000004B  }
0xb3: {  	_ =	swait.ge [sflag:s29], $0x1  }
0xb4: {  	[sflag:s29] =	ssyncadd.s32 $0xFFFFFFFF  }
0xb5: {  	_ =	strace $0x9000004B  }
0xb6: {  	_ =	sfence  }
0xb7: {  	s30 =	sld [smem:$0x0];
	_ =	sdelay $0x2  }
0xb8: {  	s31 =	sshll.u32 s1, $0xD;
	s1 =	sshrl.u32 s1, $0x2  }
0xb9: {  	s3 =	sand.u32 $0x4000, s31;
	s1 =	sadd.s32 s1, s30  }
0xba: {  	s0 =	sor.u32 s3, s0;
	s1 =	sshll.u32 s1, $0x11  }
0xbb: {  	s0 =	sor.u32 s1, s0  }
0xbc: {  	s0 =	sadd.s32 $0x8F2B, s0  }
0xbd: {  	[sflag:s0] =	ssyncadd.remote.s32 $0x1  }
0xbe: {  	_ =	sfence.sel $0xFFFF  }
0xbf: {  	[dreg:$0x0] =	wrdreg $0xFFFFFFFF;
	(pc) =	sbr.abs _section_cstart, $3  }
0xc0: {  	[dreg:$0x1] =	wrdreg $0xFFFFFFFF  }
0xc1: {  	_ =	task.clear_ibuf [dreg:s6], $0x2FFFF;
	_ =	strace $0x9FFFFFFF  }
0xc2: {  	(tm) =	ssettm $0x7FFFFFFF  }
0xc3: {  	_ =	shalt  }
tec
execute0_lowered:
.L_overlay_start_1:
0x0: {  	(tag) =	ssettag $0x1  }
0x1: {  	s0 =	srdreg.scid;
	s5 =	rddreg [dreg:$0x0]  }
0x2: {  	s2 =	rddreg [dreg:$0x1];
	s1 =	stileid.u32  }
0x3: {  	s3 =	simm.s32 $0x0;
	s24 =	simm.s32 $0x5000;
	s25 =	simm.s32 $0x80  }
0x4: {  	s26 =	simm.s32 $0x1;
	s28 =	simm.s32 $0x0;
	s6 =	sand.u32 $0x1, s0  }
0x5: {  	[smem:$0x7FF] =	sst s3;
	s10 =	smul.u32 $0x50000, s1;
	s21 =	sadd.s32 $0x3E000, s5  }
0x6: {  	s17 =	smul.u32 $0x14000, s1;
	s4 =	sshll.u32 s6, $0x4;
	_ =	strace $0x8000004A  }
0x7: {  	s8 =	ssub.s32 $0x2, s6;
	s18 =	smul.u32 $0x140000, s6;
	s4 =	sor.u32 s1, s4  }
0x8: {  	s9 =	sshrl.u32 s8, $0x1;
	s30 =	sshrl.u32 s10, $0x2;
	s14 =	sadd.s32 $0x4000, s17  }
0x9: {  	s19 =	sadd.s32 $0x8000, s17;
	s20 =	sadd.s32 $0xC000, s17;
	s22 =	sadd.s32 $0x10000, s17  }
0xa: {  	s7 =	smul.u32 $0x500, s4;
	s4 =	sadd.s32 $0x16E00, s5;
	s8 =	ssub.s32 s8, s9  }
0xb: {  	s12 =	sadd.s32 s18, s17;
	s15 =	sadd.s32 s18, s14;
	s14 =	sadd.s32 s14, s2  }
0xc: {  	s16 =	sadd.s32 s19, s2;
	s19 =	sadd.s32 s18, s19;
	s31 =	sadd.s32 s18, s20  }
0xd: {  	s23 =	sadd.s32 s18, s22;
	s18 =	sadd.s32 s20, s2;
	s20 =	sadd.s32 s22, s2  }
0xe: {  	s22 =	simm.s32 $0x2;
	s8 =	smax.u32 s8, $0x1;
	s13 =	sshrl.u32 s12, $0x3  }
0xf: {  	s15 =	sshrl.u32 s15, $0x3;
	s19 =	sshrl.u32 s19, $0x3;
	s23 =	sshrl.u32 s23, $0x3  }
0x10: {  	s7 =	sadd.s32 s7, s5;
	s13 =	sadd.s32 s21, s13;
	s15 =	sadd.s32 s21, s15  }
0x11: {  	s17 =	sadd.s32 s21, s19;
	s19 =	sshrl.u32 s31, $0x3;
	s5 =	sadd.s32 $0xCE00, s7  }
0x12: {  	s6 =	sadd.s32 $0x2E00, s7;
	s7 =	sadd.s32 s30, s2;
	s19 =	sadd.s32 s21, s19  }
0x13: {  	s21 =	sadd.s32 s21, s23;
	s23 =	simm.s32 $0x2800;
	s9 =	sadd.s32 $0x4000, s7  }
0x14: {  	v0 =	vimm.f32 $0.0e+00;
	s10 =	sadd.s32 $0x8000, s7;
	s11 =	sadd.s32 $0xC000, s7;
	s12 =	sadd.s32 $0x10000, s7  }
.LBB2_1:
0x15: {  	[tilespmem:s3], [sflag:$0x2] =	stream.linear.gather [hbm4b:s5+s3], $0x2780, $0x38;
	[tilespmem:$0x1D000] =	vst v63  }
0x16: {  	_ =	swait.ge [sflag:s22], $0x2780  }
0x17: {  	[sflag:s22] =	ssyncset.done $0x0  }
0x18: {  	[sflag:s22] =	ssyncadd.s32 $0xFFFFD880  }
0x19: {  	[tilespmem:s23], [sflag:$0x2] =	stream.linear.gather [hbm4b:s6+s3], $0x2780, $0x38;
	[tilespmem:$0x1D000] =	vst v63  }
0x1a: {  	s29 =	sand.u32 $0xFE00, s3;
	s30 =	sand.u32 $0x70, s3;
	_ =	swait.ge [sflag:s22], $0x2780  }
0x1b: {  	s31 =	sshrl.u32 s29, $0x2;
	s29 =	simm.s32 $0x40;
	[sflag:s22] =	ssyncset.done $0x0  }
0x1c: {  	s31 =	sor.u32 s30, s31;
	s30 =	simm.s32 $0x0;
	[sflag:s22] =	ssyncadd.s32 $0xFFFFD880  }
.LBB2_2:
0x1d: {  	p0 =	sne.s32 s29, $0xFFC0  }
0x1e: {  	[tilespmem:s31+$0x5000] =	vst v0;
	s30 =	sadd.s32 $0x10, s30;
	s31 =	smov.u32 s29;
	s29 =	sadd.s32 $0x40, s29  }
.Ltmp0:
0x1f: {  	(pc) =	sbr.rel @p0 .LBB2_2-.Ltmp0, $4  }
0x20: {  	_ = 	snop  }
0x21: {  	s31 =	sand.u32 $0xFE00, s31  }
0x22: {  	s0 =	sand.u32 $0x70, s30;
	s31 =	sshrl.u32 s31, $0x2  }
0x23: {  	s31 =	sor.u32 s0, s31  }
0x24: {  	[tilespmem:s31+$0x5000] =	vst v0  }
0x25: {  	[spmem:s7] =	stream.linear.scatter [tilespmem:s24], [sflag:$0x2], $0x4000, $0x38;
	[tilespmem:$0x1D000] =	vst v63  }
0x26: {  	_ =	swait.ge [sflag:s22], $0x4000  }
0x27: {  	[sflag:s22] =	ssyncset.done $0x0  }
0x28: {  	[sflag:s22] =	ssyncadd.s32 $0xFFFFC000  }
0x29: {  	[spmem:s9] =	stream.linear.scatter [tilespmem:s24], [sflag:$0x2], $0x4000, $0x38;
	[tilespmem:$0x1D000] =	vst v63  }
0x2a: {  	_ =	swait.ge [sflag:s22], $0x4000  }
0x2b: {  	[sflag:s22] =	ssyncset.done $0x0  }
0x2c: {  	[sflag:s22] =	ssyncadd.s32 $0xFFFFC000  }
0x2d: {  	[spmem:s10] =	stream.linear.scatter [tilespmem:s24], [sflag:$0x2], $0x4000, $0x38;
	[tilespmem:$0x1D000] =	vst v63  }
0x2e: {  	_ =	swait.ge [sflag:s22], $0x4000  }
0x2f: {  	[sflag:s22] =	ssyncset.done $0x0  }
0x30: {  	[sflag:s22] =	ssyncadd.s32 $0xFFFFC000  }
0x31: {  	[spmem:s11] =	stream.linear.scatter [tilespmem:s24], [sflag:$0x2], $0x4000, $0x38;
	[tilespmem:$0x1D000] =	vst v63  }
0x32: {  	_ =	swait.ge [sflag:s22], $0x4000  }
0x33: {  	[sflag:s22] =	ssyncset.done $0x0  }
0x34: {  	[sflag:s22] =	ssyncadd.s32 $0xFFFFC000  }
0x35: {  	[spmem:s12] =	stream.linear.scatter [tilespmem:s24], [sflag:$0x2], $0x4000, $0x38;
	[tilespmem:$0x1D000] =	vst v63  }
0x36: {  	_ =	swait.ge [sflag:s22], $0x4000  }
0x37: {  	[sflag:s22] =	ssyncset.done $0x0  }
0x38: {  	[sflag:s22] =	ssyncadd.s32 $0xFFFFC000  }
0x39: {  	s0 =	simm.s32 $0x0;
	[bflag:$0x0] =	sbarrier.arrive $0xFFFF  }
0x3a: {  	[tilespmem:s24], [sflag:$0x1] =	stream.indirect.gather [hbm4b:s4+s25], $0x80, s0, s25, $0xb8;
	[tilespmem:$0x1D000] =	vst v63  }
0x3b: {  	_ =	swait.ge [sflag:s26], $0x4000  }
0x3c: {  	[sflag:s26] =	ssyncset.done $0x0  }
0x3d: {  	s31 =	simm.s32 $0x2800;
	[sflag:s26] =	ssyncadd.s32 $0xFFFFC000  }
0x3e: {  	[spmem:s2] =	stream.indirect.scatter.add.f32 [tilespmem:s24], [sflag:$0x2], $0x80, s31, s25, $0xb8;
	[tilespmem:$0x1D000] =	vst v63  }
0x3f: {  	_ =	swait.ge [sflag:s22], $0x4000  }
0x40: {  	s29 =	simm.s32 $0x200;
	s30 =	simm.s32 $0x400;
	[sflag:s22] =	ssyncset.done $0x0  }
.LBB2_4:
0x41: {  	s0 =	sshra.s32 s29, $0x2  }
0x42: {  	[sflag:s22] =	ssyncadd.s32 $0xFFFFC000;
	s29 =	smov.u32 s30;
	s31 =	sadd.s32 $0x200, s30  }
0x43: {  	[tilespmem:s24], [sflag:$0x1] =	stream.indirect.gather [hbm4b:s4+s25], $0x80, s0, s25, $0xb8;
	[tilespmem:$0x1D000] =	vst v63  }
0x44: {  	p0 =	sne.s32 s30, $0x9C00;
	_ =	swait.ge [sflag:s26], $0x4000  }
.Ltmp1:
0x45: {  	[sflag:s26] =	ssyncset.done $0x0;
	(pc) =	sbr.rel @p0 .LBB2_4-.Ltmp1, $4  }
0x46: {  	s0 =	sadd.s32 $0x2800, s0;
	[sflag:s26] =	ssyncadd.s32 $0xFFFFC000  }
0x47: {  	[spmem:s2] =	stream.indirect.scatter.add.f32 [tilespmem:s24], [sflag:$0x2], $0x80, s0, s25, $0xb8;
	[tilespmem:$0x1D000] =	vst v63  }
0x48: {  	_ =	swait.ge [sflag:s22], $0x4000  }
0x49: {  	s30 =	smov.u32 s31;
	[sflag:s22] =	ssyncset.done $0x0  }
0x4a: {  	s0 =	sshra.s32 s29, $0x2;
	[sflag:s22] =	ssyncadd.s32 $0xFFFFC000  }
0x4b: {  	[tilespmem:s24], [sflag:$0x1] =	stream.indirect.gather [hbm4b:s4+s25], $0x80, s0, s25, $0xb8;
	[tilespmem:$0x1D000] =	vst v63  }
0x4c: {  	_ =	swait.ge [sflag:s26], $0x4000  }
0x4d: {  	[sflag:s26] =	ssyncset.done $0x0  }
0x4e: {  	s0 =	sadd.s32 $0x2800, s0;
	[sflag:s26] =	ssyncadd.s32 $0xFFFFC000  }
0x4f: {  	[spmem:s2] =	stream.indirect.scatter.add.f32 [tilespmem:s24], [sflag:$0x2], $0x80, s0, s25, $0xb8;
	[tilespmem:$0x1D000] =	vst v63  }
0x50: {  	_ =	swait.ge [sflag:s22], $0x4000  }
0x51: {  	[sflag:s22] =	ssyncset.done $0x0  }
0x52: {  	[sflag:s22] =	ssyncadd.s32 $0xFFFFC000  }
0x53: {  	[bflag:$0x0] =	sbarrier.arrive $0xFFFF  }
0x54: {  	[tilespmem:s24], [sflag:$0x2] =	stream.linear.gather [spmem:s7], $0x4000, $0x38;
	[tilespmem:$0x1D000] =	vst v63  }
0x55: {  	_ =	swait.ge [sflag:s22], $0x4000  }
0x56: {  	[sflag:s22] =	ssyncset.done $0x0  }
0x57: {  	[sflag:s22] =	ssyncadd.s32 $0xFFFFC000  }
0x58: {  	[hbm4b:s13+s3] =	stream.linear.scatter [tilespmem:s24], [sflag:$0x2], $0x4000, $0x38;
	[tilespmem:$0x1D000] =	vst v63  }
0x59: {  	_ =	swait.ge [sflag:s22], $0x4000  }
0x5a: {  	[sflag:s22] =	ssyncset.done $0x0  }
0x5b: {  	[sflag:s22] =	ssyncadd.s32 $0xFFFFC000  }
0x5c: {  	[tilespmem:s24], [sflag:$0x2] =	stream.linear.gather [spmem:s14], $0x4000, $0x38;
	[tilespmem:$0x1D000] =	vst v63  }
0x5d: {  	_ =	swait.ge [sflag:s22], $0x4000  }
0x5e: {  	[sflag:s22] =	ssyncset.done $0x0  }
0x5f: {  	[sflag:s22] =	ssyncadd.s32 $0xFFFFC000  }
0x60: {  	[hbm4b:s15+s3] =	stream.linear.scatter [tilespmem:s24], [sflag:$0x2], $0x4000, $0x38;
	[tilespmem:$0x1D000] =	vst v63  }
0x61: {  	_ =	swait.ge [sflag:s22], $0x4000  }
0x62: {  	[sflag:s22] =	ssyncset.done $0x0  }
0x63: {  	[sflag:s22] =	ssyncadd.s32 $0xFFFFC000  }
0x64: {  	[tilespmem:s24], [sflag:$0x2] =	stream.linear.gather [spmem:s16], $0x4000, $0x38;
	[tilespmem:$0x1D000] =	vst v63  }
0x65: {  	_ =	swait.ge [sflag:s22], $0x4000  }
0x66: {  	[sflag:s22] =	ssyncset.done $0x0  }
0x67: {  	[sflag:s22] =	ssyncadd.s32 $0xFFFFC000  }
0x68: {  	[hbm4b:s17+s3] =	stream.linear.scatter [tilespmem:s24], [sflag:$0x2], $0x4000, $0x38;
	[tilespmem:$0x1D000] =	vst v63  }
0x69: {  	_ =	swait.ge [sflag:s22], $0x4000  }
0x6a: {  	[sflag:s22] =	ssyncset.done $0x0  }
0x6b: {  	[sflag:s22] =	ssyncadd.s32 $0xFFFFC000  }
0x6c: {  	[tilespmem:s24], [sflag:$0x2] =	stream.linear.gather [spmem:s18], $0x4000, $0x38;
	[tilespmem:$0x1D000] =	vst v63  }
0x6d: {  	_ =	swait.ge [sflag:s22], $0x4000  }
0x6e: {  	[sflag:s22] =	ssyncset.done $0x0  }
0x6f: {  	[sflag:s22] =	ssyncadd.s32 $0xFFFFC000  }
0x70: {  	[hbm4b:s19+s3] =	stream.linear.scatter [tilespmem:s24], [sflag:$0x2], $0x4000, $0x38;
	[tilespmem:$0x1D000] =	vst v63  }
0x71: {  	_ =	swait.ge [sflag:s22], $0x4000  }
0x72: {  	[sflag:s22] =	ssyncset.done $0x0  }
0x73: {  	[sflag:s22] =	ssyncadd.s32 $0xFFFFC000  }
0x74: {  	[tilespmem:s24], [sflag:$0x2] =	stream.linear.gather [spmem:s20], $0x4000, $0x38;
	[tilespmem:$0x1D000] =	vst v63  }
0x75: {  	s28 =	sadd.s32 $0x1, s28;
	_ =	swait.ge [sflag:s22], $0x4000  }
0x76: {  	p0 =	sne.s32 s28, s8;
	[sflag:s22] =	ssyncset.done $0x0  }
.Ltmp2:
0x77: {  	[sflag:s22] =	ssyncadd.s32 $0xFFFFC000;
	(pc) =	sbr.rel @p0 .LBB2_1-.Ltmp2, $4  }
0x78: {  	[hbm4b:s21+s3] =	stream.linear.scatter [tilespmem:s24], [sflag:$0x2], $0x4000, $0x38;
	[tilespmem:$0x1D000] =	vst v63  }
0x79: {  	_ =	swait.ge [sflag:s22], $0x4000  }
0x7a: {  	[sflag:s22] =	ssyncset.done $0x0  }
0x7b: {  	[sflag:s22] =	ssyncadd.s32 $0xFFFFC000  }
0x7c: {  	_ =	sfence.sel $0x180000  }
0x7d: {  	[bflag:$0x0] =	sbarrier.arrive $0xFFFF  }
0x7e: {  	_ =	strace $0x9000004A  }
0x7f: {  	[bflag:$0x2] =	sbarrier.arrive $0xFFFF  }
0x80: {  	p0 =	sne.s32 s1, $0x0;
	s0 =	rddreg [dreg:$0x2]  }
0x81: {  	s0 =	sadd.s32 @!p0 $0x100000, s0  }
0x82: {  	[sflag:s0] =	ssyncadd.tile.s32 @!p0 $0x1;
	_ =	shalt  }
.Lfunc_end2:
_tile_overlayer_lowered:
.L_overlay_start_2:
0x83: {  	(tag) =	ssettag $0x2  }
0x84: {  	s0 =	rddreg [dreg:$0x0];
	s2 =	stileid.u32  }
0x85: {  	s1 =	rddreg [dreg:$0x1];
	p0 =	sne.s32 s2, $0x0  }
0x86: {  	s3 =	rddreg [dreg:$0x2];
	[bflag:$0x3] =	sbarrier.arrive $0xFFFF;
	s2 =	simm.s32 @!p0 $0x1C02  }
0x87: {  	[timem:s3], [sflag:s2] =	dma.local @!p0 [hbm:s0], s1  }
0x88: {  	s0 =	simm.s32 @!p0 $0x2  }
0x89: {  	_ =	swait.ge @!p0 [sflag:s0], s1  }
0x8a: {  	s1 =	ssub.s32 @!p0 $0x0, s1;
	[sflag:s0] =	ssyncset.done @!p0 $0x0  }
0x8b: {  	[sflag:s0] =	ssyncadd.s32 @!p0 s1  }
0x8c: {  	[bflag:$0x3] =	sbarrier.arrive $0xFFFF  }
0x8d: {  	_ =	shalt  }

// kernel: kernel.15.cloned.1.call-start
scs
__scs_entry_jumppad:
0x0: {  	(pc) =	sbr.rel $0x88, $3  }
0x1: {  	(tag) =	ssettag $0x0;
	lr =	simm.s32 $0x1  }
0x2: {  	[smem:$0x3F95] =	sst lr;
	_ =	strace $0xD0000000  }
0x3: {  	_ = 	snop  }
0x4: {  	_ = 	snop  }
0x5: {  	_ = 	snop  }
0x6: {  	_ = 	snop  }
0x7: {  	_ = 	snop  }
__scs_overlays_trampoline_lowered:
0x8: {  	[smem:$0x3FA4] =	sst s0  }
0x9: {  	[smem:$0x3FA5] =	sst s1  }
0xa: {  	[smem:$0x3FA6] =	sst s2  }
0xb: {  	[smem:$0x3FA7] =	sst s3  }
0xc: {  	[smem:$0x3FA8] =	sst s4  }
0xd: {  	[smem:$0x3FA9] =	sst s5  }
0xe: {  	[smem:$0x3FAA] =	sst s6  }
0xf: {  	[smem:$0x3FAB] =	sst s7  }
0x10: {  	[smem:$0x3FAC] =	sst s8  }
0x11: {  	[smem:$0x3FAD] =	sst s9;
	s0 =	simm.s32 @!p0 $0x0  }
0x12: {  	s1 =	sld [smem:$0x3F93];
	s0 =	simm.s32 @p0 $0x1  }
0x13: {  	[smem:$0x3FAE] =	sst s0;
	s0 =	simm.s32 @!p1 $0x0  }
0x14: {  	s2 =	sld [smem:$0x3F92];
	s0 =	simm.s32 @p1 $0x1  }
0x15: {  	[smem:$0x3FAF] =	sst s0;
	s0 =	simm.s32 @!p2 $0x0  }
0x16: {  	s3 =	sld [smem:$0x3FDB];
	s0 =	simm.s32 @p2 $0x1  }
0x17: {  	s4 =	simm.s32 $0x1BF5;
	[smem:$0x3FB1] =	sst s0  }
0x18: {  	s0 =	sld [smem:$0x3F94];
	_ =	swait.ge [sflag:s4], $0x0  }
0x19: {  	s7 =	sld [smem:$0x3F95]  }
0x1a: {  	s8 =	sadd.s32 $0xFFFFE003, lr  }
0x1b: {  	s9 =	sadd.s32 $0xFFFFFEF7, lr;
	s5 =	simm.s32 $0xFFFFFFFF;
	p2 =	slt.u32 s8, $0xFFFFF086  }
0x1c: {  	p1 =	slt.u32 s9, $0xF7A;
	s5 =	simm.s32 @!p2 $0x0  }
0x1d: {  	s5 =	simm.s32 @p1 $0x1;
	p0 =	seq.s32 s7, s2  }
0x1e: {  	s7 =	smul.u32 @!p0 $0xF7A, s2;
	p2 =	seq.s32 @!p0 s5, $0x0  }
0x1f: {  	s9 =	smul.u32 $0xF7A, s1;
	s8 =	simm.s32 @!p0 $0x1BF5;
	p2 =	por !p2, p0  }
0x20: {  	[sflag:s8] =	ssyncset.s32 @!p0 $0xFFFFF086;
	s6 =	sadd.s32 @!p0 s3, s7;
	s7 =	simm.s32 @!p0 $0x108  }
0x21: {  	s3 =	sadd.s32 s3, s9;
	s6 =	sadd.s32 @!p0 $0x88, s6;
	s7 =	simm.s32 @p2 $0x1082  }
0x22: {  	[simem:s7], [sflag:s8] =	dma.local @!p0 [hbm:s6], $0xF7A  }
0x23: {  	s9 =	sor.u32 $0xD0000000, s2;
	s6 =	simm.s32 $0x108;
	_ =	swait.ge @!p0 [sflag:s8], $0x0  }
0x24: {  	s3 =	sadd.s32 $0x88, s3;
	s6 =	simm.s32 @!p1 $0x1082;
	[sflag:s4] =	ssyncset.s32 $0xFFFFF086  }
0x25: {  	[simem:s6], [sflag:s4] =	dma.local [hbm:s3], $0xF7A  }
0x26: {  	[smem:$0x3F95] =	sst s1;
	(tag) =	ssettag s2;
	_ =	strace s9  }
0x27: {  	s1 =	sld [smem:$0x3FA5]  }
0x28: {  	s2 =	sld [smem:$0x3FA6]  }
0x29: {  	s4 =	sld [smem:$0x3FA8]  }
0x2a: {  	p0 =	seq.s32 s5, $0x0;
	s5 =	sld [smem:$0x3FA9]  }
0x2b: {  	s6 =	sld [smem:$0x3FAA]  }
0x2c: {  	s7 =	sld [smem:$0x3FAB]  }
0x2d: {  	s3 =	simm.s32 $0x108;
	s8 =	sld [smem:$0x3FAC]  }
0x2e: {  	s3 =	simm.s32 @!p0 $0x1082;
	s9 =	sld [smem:$0x3FAD]  }
0x2f: {  	lr =	sadd.s32 s0, s3;
	s0 =	sld [smem:$0x3FA4]  }
0x30: {  	s3 =	sld [smem:$0x3FA7]  }
0x31: {  	[smem:$0x3FB0] =	sst s10  }
0x32: {  	s10 =	sld [smem:$0x3FAE];
	_ =	sdelay $0x3  }
0x33: {  	p0 =	seq.s32 s10, $0x1;
	s10 =	sld [smem:$0x3FB0];
	_ =	sdelay $0x3  }
0x34: {  	[smem:$0x3FB0] =	sst s10  }
0x35: {  	s10 =	sld [smem:$0x3FAF];
	_ =	sdelay $0x3  }
0x36: {  	p1 =	seq.s32 s10, $0x1;
	s10 =	sld [smem:$0x3FB0];
	_ =	sdelay $0x3  }
0x37: {  	[smem:$0x3FB0] =	sst s10  }
0x38: {  	s10 =	sld [smem:$0x3FB1]  }
0x39: {  	_ = 	snop;
	(pc) =	sbr.ind lr, $3  }
0x3a: {  	_ = 	snop  }
0x3b: {  	_ = 	snop  }
0x3c: {  	p2 =	seq.s32 s10, $0x1;
	s10 =	sld [smem:$0x3FB0]  }
0x3d: {  	_ =	shalt  }
0x3e: {  	_ =	shalt  }
0x3f: {  	_ =	shalt  }
0x40: {  	_ =	shalt  }
0x41: {  	_ =	shalt  }
0x42: {  	_ =	shalt  }
0x43: {  	_ =	shalt  }
0x44: {  	_ =	shalt  }
0x45: {  	_ =	shalt  }
0x46: {  	_ =	shalt  }
0x47: {  	_ =	shalt  }
0x48: {  	_ =	shalt  }
0x49: {  	_ =	shalt  }
0x4a: {  	_ =	shalt  }
0x4b: {  	_ =	shalt  }
0x4c: {  	_ =	shalt  }
0x4d: {  	_ =	shalt  }
0x4e: {  	_ =	shalt  }
0x4f: {  	_ =	shalt  }
0x50: {  	_ =	shalt  }
0x51: {  	_ =	shalt  }
0x52: {  	_ =	shalt  }
0x53: {  	_ =	shalt  }
0x54: {  	_ =	shalt  }
0x55: {  	_ =	shalt  }
0x56: {  	_ =	shalt  }
0x57: {  	_ =	shalt  }
0x58: {  	_ =	shalt  }
0x59: {  	_ =	shalt  }
0x5a: {  	_ =	shalt  }
0x5b: {  	_ =	shalt  }
0x5c: {  	_ =	shalt  }
0x5d: {  	_ =	shalt  }
0x5e: {  	_ =	shalt  }
0x5f: {  	_ =	shalt  }
0x60: {  	_ =	shalt  }
0x61: {  	_ =	shalt  }
0x62: {  	_ =	shalt  }
0x63: {  	_ =	shalt  }
0x64: {  	_ =	shalt  }
0x65: {  	_ =	shalt  }
0x66: {  	_ =	shalt  }
0x67: {  	_ =	shalt  }
0x68: {  	_ =	shalt  }
0x69: {  	_ =	shalt  }
0x6a: {  	_ =	shalt  }
0x6b: {  	_ =	shalt  }
0x6c: {  	_ =	shalt  }
0x6d: {  	_ =	shalt  }
0x6e: {  	_ =	shalt  }
0x6f: {  	_ =	shalt  }
0x70: {  	_ =	shalt  }
0x71: {  	_ =	shalt  }
0x72: {  	_ =	shalt  }
0x73: {  	_ =	shalt  }
0x74: {  	_ =	shalt  }
0x75: {  	_ =	shalt  }
0x76: {  	_ =	shalt  }
0x77: {  	_ =	shalt  }
0x78: {  	_ =	shalt  }
0x79: {  	_ =	shalt  }
0x7a: {  	_ =	shalt  }
0x7b: {  	_ =	shalt  }
0x7c: {  	_ =	shalt  }
0x7d: {  	_ =	shalt  }
0x7e: {  	_ =	shalt  }
0x7f: {  	_ =	shalt  }
0x80: {  	_ =	shalt  }
0x81: {  	_ =	shalt  }
0x82: {  	_ =	shalt  }
0x83: {  	_ =	shalt  }
0x84: {  	_ =	shalt  }
0x85: {  	_ =	shalt  }
0x86: {  	_ =	shalt  }
0x87: {  	_ =	shalt  }
.Lfunc_end0:
.L_simem_size_0:
called_computation.2_lowered:
.L_overlay_start_0:
0x88: {  	s2 =	sld [smem:$0x3FD9]  }
0x89: {  	s3 =	sld [smem:$0x3FFE];
	_ =	sdelay $0x1  }
0x8a: {  	s1 =	srdreg.scid  }
0x8b: {  	s0 =	sand.u32 $0x1, s1  }
0x8c: {  	s16 =	sshll.u32 s0, $0xA;
	s2 =	sadd.s32 s3, s2  }
0x8d: {  	s2 =	sadd.s32 s2, s16  }
0x8e: {  	[smem:$0x3FBC] =	sst s2  }
0x8f: {  	_ = 	snop  }
0x90: {  	(tm) =	ssettm $0x1  }
0x91: {  	s17 =	sld [smem:$0x3FFB];
	_ =	sdelay $0x3  }
0x92: {  	_ =	strace s17  }
0x93: {  	s2 =	sld [smem:$0x3FFC];
	_ =	sdelay $0x3  }
0x94: {  	_ =	strace s2  }
0x95: {  	s2 =	sld [smem:$0x3FFD];
	_ =	sdelay $0x3  }
0x96: {  	_ =	strace s2  }
0x97: {  	_ =	strace $0x8FFFFFFF  }
0x98: {  	s18 =	sld [smem:$0x3FDB];
	_ =	sdelay $0x1  }
0x99: {  	s19 =	simm.s32 $_scs_section_size  }
0x9a: {  	s4 =	simm.s32 $_size__tile_overlayer_lowered;
	s5 =	simm.s32 $_tile_overlayer_lowered  }
0x9b: {  	s22 =	simm.s32 $0x1BFF;
	s21 =	sshll.u32 s5, $0x1;
	s2 =	sadd.s32 s19, s18  }
0x9c: {  	s6 =	simm.s32 $0x0;
	s20 =	sshll.u32 s4, $0x1;
	s4 =	sadd.s32 s21, s2  }
0x9d: {  	[timem:s6], [sflag:s22] =	dma.local [hbm:s4], s20  }
0x9e: {  	_ =	swait.ge [sflag:s22], s20  }
0x9f: {  	s3 =	ssub.s32 $0x0, s20;
	[sflag:s22] =	ssyncset.done $0x0  }
0xa0: {  	[sflag:s22] =	ssyncadd.s32 s3;
	_ =	sdelay $0x1  }
0xa1: {  	s23 =	simm.s32 $0x1B8B  }
0xa2: {  	_ =	swait.ge [sflag:s23], $0x1  }
0xa3: {  	[sflag:s23] =	ssyncset.done $0x0  }
0xa4: {  	s25 =	simm.s32 $0x1B8E;
	s24 =	sld [smem:$0x3FFE];
	[sflag:s23] =	ssyncadd.s32 $0xFFFFFFFF  }
0xa5: {  	s26 =	simm.s32 $execute0_lowered;
	[smem:$0x3FD2] =	sst s25  }
0xa6: {  	s4 =	sshll.u32 s26, $0x1;
	_ =	strace $0x8000004C;
	[dreg:$0x1] =	wrdreg $0xFFFFFFFF  }
0xa7: {  	s28 =	simm.s32 $_size_execute0_lowered;
	s2 =	sadd.s32 s2, s4;
	[dreg:$0x0] =	wrdreg $0x0  }
0xa8: {  	s4 =	sshll.u32 s28, $0x1;
	[dreg:$0x2] =	wrdreg s2  }
0xa9: {  	[dreg:$0x3] =	wrdreg s4  }
0xaa: {  	[dreg:$0x4] =	wrdreg $0xC0  }
0xab: {  	_ =	task [dreg:s6], $0x5FFFF  }
0xac: {  	[dreg:$0x1] =	wrdreg $0xFFFFFFFF  }
0xad: {  	[dreg:$0x0] =	wrdreg $0x60  }
0xae: {  	[dreg:$0x2] =	wrdreg s24  }
0xaf: {  	[dreg:$0x3] =	wrdreg $0x90000  }
0xb0: {  	[dreg:$0x4] =	wrdreg $0x9  }
0xb1: {  	_ =	task.clear_ibuf [dreg:s6], $0x5FFFF;
	_ =	strace $0x9000004C  }
0xb2: {  	s29 =	simm.s32 $0x9;
	_ =	strace $0x8000004E  }
0xb3: {  	_ =	swait.ge [sflag:s29], $0x1  }
0xb4: {  	[sflag:s29] =	ssyncadd.s32 $0xFFFFFFFF  }
0xb5: {  	_ =	strace $0x9000004E  }
0xb6: {  	_ =	sfence  }
0xb7: {  	s30 =	sld [smem:$0x0];
	_ =	sdelay $0x2  }
0xb8: {  	s31 =	sshll.u32 s1, $0xD;
	s1 =	sshrl.u32 s1, $0x2  }
0xb9: {  	s3 =	sand.u32 $0x4000, s31;
	s1 =	sadd.s32 s1, s30  }
0xba: {  	s0 =	sor.u32 s3, s0;
	s1 =	sshll.u32 s1, $0x11  }
0xbb: {  	s0 =	sor.u32 s1, s0  }
0xbc: {  	s0 =	sadd.s32 $0x8F2B, s0  }
0xbd: {  	[sflag:s0] =	ssyncadd.remote.s32 $0x1  }
0xbe: {  	_ =	sfence.sel $0xFFFF  }
0xbf: {  	[dreg:$0x0] =	wrdreg $0xFFFFFFFF;
	(pc) =	sbr.abs _section_cstart, $3  }
0xc0: {  	[dreg:$0x1] =	wrdreg $0xFFFFFFFF  }
0xc1: {  	_ =	task.clear_ibuf [dreg:s6], $0x2FFFF;
	_ =	strace $0x9FFFFFFF  }
0xc2: {  	(tm) =	ssettm $0x7FFFFFFF  }
0xc3: {  	_ =	shalt  }
tec
execute0_lowered:
.L_overlay_start_1:
0x0: {  	(tag) =	ssettag $0x1  }
0x1: {  	s0 =	srdreg.scid;
	s5 =	rddreg [dreg:$0x0]  }
0x2: {  	s2 =	rddreg [dreg:$0x1];
	s1 =	stileid.u32  }
0x3: {  	s3 =	simm.s32 $0x0;
	s24 =	simm.s32 $0x5000;
	s25 =	simm.s32 $0x80  }
0x4: {  	s26 =	simm.s32 $0x1;
	s28 =	simm.s32 $0x0;
	s6 =	sand.u32 $0x1, s0  }
0x5: {  	[smem:$0x7FF] =	sst s3;
	s10 =	smul.u32 $0x50000, s1;
	s21 =	sadd.s32 $0x3E000, s5  }
0x6: {  	s17 =	smul.u32 $0x14000, s1;
	s4 =	sshll.u32 s6, $0x4;
	_ =	strace $0x8000004D  }
0x7: {  	s8 =	ssub.s32 $0x2, s6;
	s18 =	smul.u32 $0x140000, s6;
	s4 =	sor.u32 s1, s4  }
0x8: {  	s9 =	sshrl.u32 s8, $0x1;
	s30 =	sshrl.u32 s10, $0x2;
	s14 =	sadd.s32 $0x4000, s17  }
0x9: {  	s19 =	sadd.s32 $0x8000, s17;
	s20 =	sadd.s32 $0xC000, s17;
	s22 =	sadd.s32 $0x10000, s17  }
0xa: {  	s7 =	smul.u32 $0x500, s4;
	s4 =	sadd.s32 $0x16E00, s5;
	s8 =	ssub.s32 s8, s9  }
0xb: {  	s12 =	sadd.s32 s18, s17;
	s15 =	sadd.s32 s18, s14;
	s14 =	sadd.s32 s14, s2  }
0xc: {  	s16 =	sadd.s32 s19, s2;
	s19 =	sadd.s32 s18, s19;
	s31 =	sadd.s32 s18, s20  }
0xd: {  	s23 =	sadd.s32 s18, s22;
	s18 =	sadd.s32 s20, s2;
	s20 =	sadd.s32 s22, s2  }
0xe: {  	s22 =	simm.s32 $0x2;
	s8 =	smax.u32 s8, $0x1;
	s13 =	sshrl.u32 s12, $0x3  }
0xf: {  	s15 =	sshrl.u32 s15, $0x3;
	s19 =	sshrl.u32 s19, $0x3;
	s23 =	sshrl.u32 s23, $0x3  }
0x10: {  	s7 =	sadd.s32 s7, s5;
	s13 =	sadd.s32 s21, s13;
	s15 =	sadd.s32 s21, s15  }
0x11: {  	s17 =	sadd.s32 s21, s19;
	s19 =	sshrl.u32 s31, $0x3;
	s5 =	sadd.s32 $0xCE00, s7  }
0x12: {  	s6 =	sadd.s32 $0x2E00, s7;
	s7 =	sadd.s32 s30, s2;
	s19 =	sadd.s32 s21, s19  }
0x13: {  	s21 =	sadd.s32 s21, s23;
	s23 =	simm.s32 $0x2800;
	s9 =	sadd.s32 $0x4000, s7  }
0x14: {  	v0 =	vimm.f32 $0.0e+00;
	s10 =	sadd.s32 $0x8000, s7;
	s11 =	sadd.s32 $0xC000, s7;
	s12 =	sadd.s32 $0x10000, s7  }
.LBB2_1:
0x15: {  	[tilespmem:s3], [sflag:$0x2] =	stream.linear.gather [hbm4b:s5+s3], $0x2780, $0x38;
	[tilespmem:$0x1D000] =	vst v63  }
0x16: {  	_ =	swait.ge [sflag:s22], $0x2780  }
0x17: {  	[sflag:s22] =	ssyncset.done $0x0  }
0x18: {  	[sflag:s22] =	ssyncadd.s32 $0xFFFFD880  }
0x19: {  	[tilespmem:s23], [sflag:$0x2] =	stream.linear.gather [hbm4b:s6+s3], $0x2780, $0x38;
	[tilespmem:$0x1D000] =	vst v63  }
0x1a: {  	s29 =	sand.u32 $0xFE00, s3;
	s30 =	sand.u32 $0x70, s3;
	_ =	swait.ge [sflag:s22], $0x2780  }
0x1b: {  	s31 =	sshrl.u32 s29, $0x2;
	s29 =	simm.s32 $0x40;
	[sflag:s22] =	ssyncset.done $0x0  }
0x1c: {  	s31 =	sor.u32 s30, s31;
	s30 =	simm.s32 $0x0;
	[sflag:s22] =	ssyncadd.s32 $0xFFFFD880  }
.LBB2_2:
0x1d: {  	p0 =	sne.s32 s29, $0xFFC0  }
0x1e: {  	[tilespmem:s31+$0x5000] =	vst v0;
	s30 =	sadd.s32 $0x10, s30;
	s31 =	smov.u32 s29;
	s29 =	sadd.s32 $0x40, s29  }
.Ltmp0:
0x1f: {  	(pc) =	sbr.rel @p0 .LBB2_2-.Ltmp0, $4  }
0x20: {  	_ = 	snop  }
0x21: {  	s31 =	sand.u32 $0xFE00, s31  }
0x22: {  	s0 =	sand.u32 $0x70, s30;
	s31 =	sshrl.u32 s31, $0x2  }
0x23: {  	s31 =	sor.u32 s0, s31  }
0x24: {  	[tilespmem:s31+$0x5000] =	vst v0  }
0x25: {  	[spmem:s7] =	stream.linear.scatter [tilespmem:s24], [sflag:$0x2], $0x4000, $0x38;
	[tilespmem:$0x1D000] =	vst v63  }
0x26: {  	_ =	swait.ge [sflag:s22], $0x4000  }
0x27: {  	[sflag:s22] =	ssyncset.done $0x0  }
0x28: {  	[sflag:s22] =	ssyncadd.s32 $0xFFFFC000  }
0x29: {  	[spmem:s9] =	stream.linear.scatter [tilespmem:s24], [sflag:$0x2], $0x4000, $0x38;
	[tilespmem:$0x1D000] =	vst v63  }
0x2a: {  	_ =	swait.ge [sflag:s22], $0x4000  }
0x2b: {  	[sflag:s22] =	ssyncset.done $0x0  }
0x2c: {  	[sflag:s22] =	ssyncadd.s32 $0xFFFFC000  }
0x2d: {  	[spmem:s10] =	stream.linear.scatter [tilespmem:s24], [sflag:$0x2], $0x4000, $0x38;
	[tilespmem:$0x1D000] =	vst v63  }
0x2e: {  	_ =	swait.ge [sflag:s22], $0x4000  }
0x2f: {  	[sflag:s22] =	ssyncset.done $0x0  }
0x30: {  	[sflag:s22] =	ssyncadd.s32 $0xFFFFC000  }
0x31: {  	[spmem:s11] =	stream.linear.scatter [tilespmem:s24], [sflag:$0x2], $0x4000, $0x38;
	[tilespmem:$0x1D000] =	vst v63  }
0x32: {  	_ =	swait.ge [sflag:s22], $0x4000  }
0x33: {  	[sflag:s22] =	ssyncset.done $0x0  }
0x34: {  	[sflag:s22] =	ssyncadd.s32 $0xFFFFC000  }
0x35: {  	[spmem:s12] =	stream.linear.scatter [tilespmem:s24], [sflag:$0x2], $0x4000, $0x38;
	[tilespmem:$0x1D000] =	vst v63  }
0x36: {  	_ =	swait.ge [sflag:s22], $0x4000  }
0x37: {  	[sflag:s22] =	ssyncset.done $0x0  }
0x38: {  	[sflag:s22] =	ssyncadd.s32 $0xFFFFC000  }
0x39: {  	s0 =	simm.s32 $0x0;
	[bflag:$0x0] =	sbarrier.arrive $0xFFFF  }
0x3a: {  	[tilespmem:s24], [sflag:$0x1] =	stream.indirect.gather [hbm4b:s4+s25], $0x80, s0, s25, $0xb8;
	[tilespmem:$0x1D000] =	vst v63  }
0x3b: {  	_ =	swait.ge [sflag:s26], $0x4000  }
0x3c: {  	[sflag:s26] =	ssyncset.done $0x0  }
0x3d: {  	s31 =	simm.s32 $0x2800;
	[sflag:s26] =	ssyncadd.s32 $0xFFFFC000  }
0x3e: {  	[spmem:s2] =	stream.indirect.scatter.add.f32 [tilespmem:s24], [sflag:$0x2], $0x80, s31, s25, $0xb8;
	[tilespmem:$0x1D000] =	vst v63  }
0x3f: {  	_ =	swait.ge [sflag:s22], $0x4000  }
0x40: {  	s29 =	simm.s32 $0x200;
	s30 =	simm.s32 $0x400;
	[sflag:s22] =	ssyncset.done $0x0  }
.LBB2_4:
0x41: {  	s0 =	sshra.s32 s29, $0x2  }
0x42: {  	[sflag:s22] =	ssyncadd.s32 $0xFFFFC000;
	s29 =	smov.u32 s30;
	s31 =	sadd.s32 $0x200, s30  }
0x43: {  	[tilespmem:s24], [sflag:$0x1] =	stream.indirect.gather [hbm4b:s4+s25], $0x80, s0, s25, $0xb8;
	[tilespmem:$0x1D000] =	vst v63  }
0x44: {  	p0 =	sne.s32 s30, $0x9C00;
	_ =	swait.ge [sflag:s26], $0x4000  }
.Ltmp1:
0x45: {  	[sflag:s26] =	ssyncset.done $0x0;
	(pc) =	sbr.rel @p0 .LBB2_4-.Ltmp1, $4  }
0x46: {  	s0 =	sadd.s32 $0x2800, s0;
	[sflag:s26] =	ssyncadd.s32 $0xFFFFC000  }
0x47: {  	[spmem:s2] =	stream.indirect.scatter.add.f32 [tilespmem:s24], [sflag:$0x2], $0x80, s0, s25, $0xb8;
	[tilespmem:$0x1D000] =	vst v63  }
0x48: {  	_ =	swait.ge [sflag:s22], $0x4000  }
0x49: {  	s30 =	smov.u32 s31;
	[sflag:s22] =	ssyncset.done $0x0  }
0x4a: {  	s0 =	sshra.s32 s29, $0x2;
	[sflag:s22] =	ssyncadd.s32 $0xFFFFC000  }
0x4b: {  	[tilespmem:s24], [sflag:$0x1] =	stream.indirect.gather [hbm4b:s4+s25], $0x80, s0, s25, $0xb8;
	[tilespmem:$0x1D000] =	vst v63  }
0x4c: {  	_ =	swait.ge [sflag:s26], $0x4000  }
0x4d: {  	[sflag:s26] =	ssyncset.done $0x0  }
0x4e: {  	s0 =	sadd.s32 $0x2800, s0;
	[sflag:s26] =	ssyncadd.s32 $0xFFFFC000  }
0x4f: {  	[spmem:s2] =	stream.indirect.scatter.add.f32 [tilespmem:s24], [sflag:$0x2], $0x80, s0, s25, $0xb8;
	[tilespmem:$0x1D000] =	vst v63  }
0x50: {  	_ =	swait.ge [sflag:s22], $0x4000  }
0x51: {  	[sflag:s22] =	ssyncset.done $0x0  }
0x52: {  	[sflag:s22] =	ssyncadd.s32 $0xFFFFC000  }
0x53: {  	[bflag:$0x0] =	sbarrier.arrive $0xFFFF  }
0x54: {  	[tilespmem:s24], [sflag:$0x2] =	stream.linear.gather [spmem:s7], $0x4000, $0x38;
	[tilespmem:$0x1D000] =	vst v63  }
0x55: {  	_ =	swait.ge [sflag:s22], $0x4000  }
0x56: {  	[sflag:s22] =	ssyncset.done $0x0  }
0x57: {  	[sflag:s22] =	ssyncadd.s32 $0xFFFFC000  }
0x58: {  	[hbm4b:s13+s3] =	stream.linear.scatter [tilespmem:s24], [sflag:$0x2], $0x4000, $0x38;
	[tilespmem:$0x1D000] =	vst v63  }
0x59: {  	_ =	swait.ge [sflag:s22], $0x4000  }
0x5a: {  	[sflag:s22] =	ssyncset.done $0x0  }
0x5b: {  	[sflag:s22] =	ssyncadd.s32 $0xFFFFC000  }
0x5c: {  	[tilespmem:s24], [sflag:$0x2] =	stream.linear.gather [spmem:s14], $0x4000, $0x38;
	[tilespmem:$0x1D000] =	vst v63  }
0x5d: {  	_ =	swait.ge [sflag:s22], $0x4000  }
0x5e: {  	[sflag:s22] =	ssyncset.done $0x0  }
0x5f: {  	[sflag:s22] =	ssyncadd.s32 $0xFFFFC000  }
0x60: {  	[hbm4b:s15+s3] =	stream.linear.scatter [tilespmem:s24], [sflag:$0x2], $0x4000, $0x38;
	[tilespmem:$0x1D000] =	vst v63  }
0x61: {  	_ =	swait.ge [sflag:s22], $0x4000  }
0x62: {  	[sflag:s22] =	ssyncset.done $0x0  }
0x63: {  	[sflag:s22] =	ssyncadd.s32 $0xFFFFC000  }
0x64: {  	[tilespmem:s24], [sflag:$0x2] =	stream.linear.gather [spmem:s16], $0x4000, $0x38;
	[tilespmem:$0x1D000] =	vst v63  }
0x65: {  	_ =	swait.ge [sflag:s22], $0x4000  }
0x66: {  	[sflag:s22] =	ssyncset.done $0x0  }
0x67: {  	[sflag:s22] =	ssyncadd.s32 $0xFFFFC000  }
0x68: {  	[hbm4b:s17+s3] =	stream.linear.scatter [tilespmem:s24], [sflag:$0x2], $0x4000, $0x38;
	[tilespmem:$0x1D000] =	vst v63  }
0x69: {  	_ =	swait.ge [sflag:s22], $0x4000  }
0x6a: {  	[sflag:s22] =	ssyncset.done $0x0  }
0x6b: {  	[sflag:s22] =	ssyncadd.s32 $0xFFFFC000  }
0x6c: {  	[tilespmem:s24], [sflag:$0x2] =	stream.linear.gather [spmem:s18], $0x4000, $0x38;
	[tilespmem:$0x1D000] =	vst v63  }
0x6d: {  	_ =	swait.ge [sflag:s22], $0x4000  }
0x6e: {  	[sflag:s22] =	ssyncset.done $0x0  }
0x6f: {  	[sflag:s22] =	ssyncadd.s32 $0xFFFFC000  }
0x70: {  	[hbm4b:s19+s3] =	stream.linear.scatter [tilespmem:s24], [sflag:$0x2], $0x4000, $0x38;
	[tilespmem:$0x1D000] =	vst v63  }
0x71: {  	_ =	swait.ge [sflag:s22], $0x4000  }
0x72: {  	[sflag:s22] =	ssyncset.done $0x0  }
0x73: {  	[sflag:s22] =	ssyncadd.s32 $0xFFFFC000  }
0x74: {  	[tilespmem:s24], [sflag:$0x2] =	stream.linear.gather [spmem:s20], $0x4000, $0x38;
	[tilespmem:$0x1D000] =	vst v63  }
0x75: {  	s28 =	sadd.s32 $0x1, s28;
	_ =	swait.ge [sflag:s22], $0x4000  }
0x76: {  	p0 =	sne.s32 s28, s8;
	[sflag:s22] =	ssyncset.done $0x0  }
.Ltmp2:
0x77: {  	[sflag:s22] =	ssyncadd.s32 $0xFFFFC000;
	(pc) =	sbr.rel @p0 .LBB2_1-.Ltmp2, $4  }
0x78: {  	[hbm4b:s21+s3] =	stream.linear.scatter [tilespmem:s24], [sflag:$0x2], $0x4000, $0x38;
	[tilespmem:$0x1D000] =	vst v63  }
0x79: {  	_ =	swait.ge [sflag:s22], $0x4000  }
0x7a: {  	[sflag:s22] =	ssyncset.done $0x0  }
0x7b: {  	[sflag:s22] =	ssyncadd.s32 $0xFFFFC000  }
0x7c: {  	_ =	sfence.sel $0x180000  }
0x7d: {  	[bflag:$0x0] =	sbarrier.arrive $0xFFFF  }
0x7e: {  	_ =	strace $0x9000004D  }
0x7f: {  	[bflag:$0x2] =	sbarrier.arrive $0xFFFF  }
0x80: {  	p0 =	sne.s32 s1, $0x0;
	s0 =	rddreg [dreg:$0x2]  }
0x81: {  	s0 =	sadd.s32 @!p0 $0x100000, s0  }
0x82: {  	[sflag:s0] =	ssyncadd.tile.s32 @!p0 $0x1;
	_ =	shalt  }
.Lfunc_end2:
_tile_overlayer_lowered:
.L_overlay_start_2:
0x83: {  	(tag) =	ssettag $0x2  }
0x84: {  	s0 =	rddreg [dreg:$0x0];
	s2 =	stileid.u32  }
0x85: {  	s1 =	rddreg [dreg:$0x1];
	p0 =	sne.s32 s2, $0x0  }
0x86: {  	s3 =	rddreg [dreg:$0x2];
	[bflag:$0x3] =	sbarrier.arrive $0xFFFF;
	s2 =	simm.s32 @!p0 $0x1C02  }
0x87: {  	[timem:s3], [sflag:s2] =	dma.local @!p0 [hbm:s0], s1  }
0x88: {  	s0 =	simm.s32 @!p0 $0x2  }
0x89: {  	_ =	swait.ge @!p0 [sflag:s0], s1  }
0x8a: {  	s1 =	ssub.s32 @!p0 $0x0, s1;
	[sflag:s0] =	ssyncset.done @!p0 $0x0  }
0x8b: {  	[sflag:s0] =	ssyncadd.s32 @!p0 s1  }
0x8c: {  	[bflag:$0x3] =	sbarrier.arrive $0xFFFF  }
0x8d: {  	_ =	shalt  }

// kernel: kernel.18.cloned.1.call-start
scs
__scs_entry_jumppad:
0x0: {  	(pc) =	sbr.rel $0x88, $3  }
0x1: {  	(tag) =	ssettag $0x0;
	lr =	simm.s32 $0x1  }
0x2: {  	[smem:$0x3F95] =	sst lr;
	_ =	strace $0xD0000000  }
0x3: {  	_ = 	snop  }
0x4: {  	_ = 	snop  }
0x5: {  	_ = 	snop  }
0x6: {  	_ = 	snop  }
0x7: {  	_ = 	snop  }
__scs_overlays_trampoline_lowered:
0x8: {  	[smem:$0x3FA4] =	sst s0  }
0x9: {  	[smem:$0x3FA5] =	sst s1  }
0xa: {  	[smem:$0x3FA6] =	sst s2  }
0xb: {  	[smem:$0x3FA7] =	sst s3  }
0xc: {  	[smem:$0x3FA8] =	sst s4  }
0xd: {  	[smem:$0x3FA9] =	sst s5  }
0xe: {  	[smem:$0x3FAA] =	sst s6  }
0xf: {  	[smem:$0x3FAB] =	sst s7  }
0x10: {  	[smem:$0x3FAC] =	sst s8  }
0x11: {  	[smem:$0x3FAD] =	sst s9;
	s0 =	simm.s32 @!p0 $0x0  }
0x12: {  	s1 =	sld [smem:$0x3F93];
	s0 =	simm.s32 @p0 $0x1  }
0x13: {  	[smem:$0x3FAE] =	sst s0;
	s0 =	simm.s32 @!p1 $0x0  }
0x14: {  	s2 =	sld [smem:$0x3F92];
	s0 =	simm.s32 @p1 $0x1  }
0x15: {  	[smem:$0x3FAF] =	sst s0;
	s0 =	simm.s32 @!p2 $0x0  }
0x16: {  	s3 =	sld [smem:$0x3FDB];
	s0 =	simm.s32 @p2 $0x1  }
0x17: {  	s4 =	simm.s32 $0x1BF5;
	[smem:$0x3FB1] =	sst s0  }
0x18: {  	s0 =	sld [smem:$0x3F94];
	_ =	swait.ge [sflag:s4], $0x0  }
0x19: {  	s7 =	sld [smem:$0x3F95]  }
0x1a: {  	s8 =	sadd.s32 $0xFFFFE003, lr  }
0x1b: {  	s9 =	sadd.s32 $0xFFFFFEF7, lr;
	s5 =	simm.s32 $0xFFFFFFFF;
	p2 =	slt.u32 s8, $0xFFFFF086  }
0x1c: {  	p1 =	slt.u32 s9, $0xF7A;
	s5 =	simm.s32 @!p2 $0x0  }
0x1d: {  	s5 =	simm.s32 @p1 $0x1;
	p0 =	seq.s32 s7, s2  }
0x1e: {  	s7 =	smul.u32 @!p0 $0xF7A, s2;
	p2 =	seq.s32 @!p0 s5, $0x0  }
0x1f: {  	s9 =	smul.u32 $0xF7A, s1;
	s8 =	simm.s32 @!p0 $0x1BF5;
	p2 =	por !p2, p0  }
0x20: {  	[sflag:s8] =	ssyncset.s32 @!p0 $0xFFFFF086;
	s6 =	sadd.s32 @!p0 s3, s7;
	s7 =	simm.s32 @!p0 $0x108  }
0x21: {  	s3 =	sadd.s32 s3, s9;
	s6 =	sadd.s32 @!p0 $0x88, s6;
	s7 =	simm.s32 @p2 $0x1082  }
0x22: {  	[simem:s7], [sflag:s8] =	dma.local @!p0 [hbm:s6], $0xF7A  }
0x23: {  	s9 =	sor.u32 $0xD0000000, s2;
	s6 =	simm.s32 $0x108;
	_ =	swait.ge @!p0 [sflag:s8], $0x0  }
0x24: {  	s3 =	sadd.s32 $0x88, s3;
	s6 =	simm.s32 @!p1 $0x1082;
	[sflag:s4] =	ssyncset.s32 $0xFFFFF086  }
0x25: {  	[simem:s6], [sflag:s4] =	dma.local [hbm:s3], $0xF7A  }
0x26: {  	[smem:$0x3F95] =	sst s1;
	(tag) =	ssettag s2;
	_ =	strace s9  }
0x27: {  	s1 =	sld [smem:$0x3FA5]  }
0x28: {  	s2 =	sld [smem:$0x3FA6]  }
0x29: {  	s4 =	sld [smem:$0x3FA8]  }
0x2a: {  	p0 =	seq.s32 s5, $0x0;
	s5 =	sld [smem:$0x3FA9]  }
0x2b: {  	s6 =	sld [smem:$0x3FAA]  }
0x2c: {  	s7 =	sld [smem:$0x3FAB]  }
0x2d: {  	s3 =	simm.s32 $0x108;
	s8 =	sld [smem:$0x3FAC]  }
0x2e: {  	s3 =	simm.s32 @!p0 $0x1082;
	s9 =	sld [smem:$0x3FAD]  }
0x2f: {  	lr =	sadd.s32 s0, s3;
	s0 =	sld [smem:$0x3FA4]  }
0x30: {  	s3 =	sld [smem:$0x3FA7]  }
0x31: {  	[smem:$0x3FB0] =	sst s10  }
0x32: {  	s10 =	sld [smem:$0x3FAE];
	_ =	sdelay $0x3  }
0x33: {  	p0 =	seq.s32 s10, $0x1;
	s10 =	sld [smem:$0x3FB0];
	_ =	sdelay $0x3  }
0x34: {  	[smem:$0x3FB0] =	sst s10  }
0x35: {  	s10 =	sld [smem:$0x3FAF];
	_ =	sdelay $0x3  }
0x36: {  	p1 =	seq.s32 s10, $0x1;
	s10 =	sld [smem:$0x3FB0];
	_ =	sdelay $0x3  }
0x37: {  	[smem:$0x3FB0] =	sst s10  }
0x38: {  	s10 =	sld [smem:$0x3FB1]  }
0x39: {  	_ = 	snop;
	(pc) =	sbr.ind lr, $3  }
0x3a: {  	_ = 	snop  }
0x3b: {  	_ = 	snop  }
0x3c: {  	p2 =	seq.s32 s10, $0x1;
	s10 =	sld [smem:$0x3FB0]  }
0x3d: {  	_ =	shalt  }
0x3e: {  	_ =	shalt  }
0x3f: {  	_ =	shalt  }
0x40: {  	_ =	shalt  }
0x41: {  	_ =	shalt  }
0x42: {  	_ =	shalt  }
0x43: {  	_ =	shalt  }
0x44: {  	_ =	shalt  }
0x45: {  	_ =	shalt  }
0x46: {  	_ =	shalt  }
0x47: {  	_ =	shalt  }
0x48: {  	_ =	shalt  }
0x49: {  	_ =	shalt  }
0x4a: {  	_ =	shalt  }
0x4b: {  	_ =	shalt  }
0x4c: {  	_ =	shalt  }
0x4d: {  	_ =	shalt  }
0x4e: {  	_ =	shalt  }
0x4f: {  	_ =	shalt  }
0x50: {  	_ =	shalt  }
0x51: {  	_ =	shalt  }
0x52: {  	_ =	shalt  }
0x53: {  	_ =	shalt  }
0x54: {  	_ =	shalt  }
0x55: {  	_ =	shalt  }
0x56: {  	_ =	shalt  }
0x57: {  	_ =	shalt  }
0x58: {  	_ =	shalt  }
0x59: {  	_ =	shalt  }
0x5a: {  	_ =	shalt  }
0x5b: {  	_ =	shalt  }
0x5c: {  	_ =	shalt  }
0x5d: {  	_ =	shalt  }
0x5e: {  	_ =	shalt  }
0x5f: {  	_ =	shalt  }
0x60: {  	_ =	shalt  }
0x61: {  	_ =	shalt  }
0x62: {  	_ =	shalt  }
0x63: {  	_ =	shalt  }
0x64: {  	_ =	shalt  }
0x65: {  	_ =	shalt  }
0x66: {  	_ =	shalt  }
0x67: {  	_ =	shalt  }
0x68: {  	_ =	shalt  }
0x69: {  	_ =	shalt  }
0x6a: {  	_ =	shalt  }
0x6b: {  	_ =	shalt  }
0x6c: {  	_ =	shalt  }
0x6d: {  	_ =	shalt  }
0x6e: {  	_ =	shalt  }
0x6f: {  	_ =	shalt  }
0x70: {  	_ =	shalt  }
0x71: {  	_ =	shalt  }
0x72: {  	_ =	shalt  }
0x73: {  	_ =	shalt  }
0x74: {  	_ =	shalt  }
0x75: {  	_ =	shalt  }
0x76: {  	_ =	shalt  }
0x77: {  	_ =	shalt  }
0x78: {  	_ =	shalt  }
0x79: {  	_ =	shalt  }
0x7a: {  	_ =	shalt  }
0x7b: {  	_ =	shalt  }
0x7c: {  	_ =	shalt  }
0x7d: {  	_ =	shalt  }
0x7e: {  	_ =	shalt  }
0x7f: {  	_ =	shalt  }
0x80: {  	_ =	shalt  }
0x81: {  	_ =	shalt  }
0x82: {  	_ =	shalt  }
0x83: {  	_ =	shalt  }
0x84: {  	_ =	shalt  }
0x85: {  	_ =	shalt  }
0x86: {  	_ =	shalt  }
0x87: {  	_ =	shalt  }
.Lfunc_end0:
.L_simem_size_0:
called_computation.3_lowered:
.L_overlay_start_0:
0x88: {  	s2 =	sld [smem:$0x3FD9]  }
0x89: {  	s3 =	sld [smem:$0x3FFE];
	_ =	sdelay $0x1  }
0x8a: {  	s1 =	srdreg.scid  }
0x8b: {  	s0 =	sand.u32 $0x1, s1  }
0x8c: {  	s14 =	sshll.u32 s0, $0xA;
	s2 =	sadd.s32 s3, s2  }
0x8d: {  	s2 =	sadd.s32 s2, s14  }
0x8e: {  	[smem:$0x3FBC] =	sst s2  }
0x8f: {  	_ = 	snop  }
0x90: {  	s2 =	sld [smem:$0x3FD0];
	_ =	sdelay $0x2  }
0x91: {  	s15 =	simm.s32 $0xA;
	s4 =	simm.s32 $0x10  }
0x92: {  	[smem:s4], [sflag:s15] =	dma.local [hbm:s2], $0x1  }
0x93: {  	_ =	swait.eq [sflag:s15], $0x1  }
0x94: {  	[sflag:s15] =	ssyncset.done $0x0  }
0x95: {  	[sflag:s15] =	ssyncadd.s32 $0xFFFFFFFF  }
0x96: {  	s16 =	sld [smem:$0x10];
	(tm) =	ssettm $0x1  }
0x97: {  	s17 =	sld [smem:$0x3FFB];
	_ =	sdelay $0x3  }
0x98: {  	_ =	strace s17  }
0x99: {  	s3 =	sld [smem:$0x3FFC];
	_ =	sdelay $0x3  }
0x9a: {  	_ =	strace s3  }
0x9b: {  	s3 =	sld [smem:$0x3FFD];
	_ =	sdelay $0x3  }
0x9c: {  	_ =	strace s3  }
0x9d: {  	_ =	strace $0x8FFFFFFF  }
0x9e: {  	s18 =	sld [smem:$0x3FDB];
	_ =	sdelay $0x1  }
0x9f: {  	s19 =	simm.s32 $_scs_section_size  }
0xa0: {  	s5 =	simm.s32 $_size__tile_overlayer_lowered;
	s6 =	simm.s32 $_tile_overlayer_lowered  }
0xa1: {  	s22 =	simm.s32 $0x1BFF;
	s21 =	sshll.u32 s6, $0x1;
	s3 =	sadd.s32 s19, s18  }
0xa2: {  	s7 =	simm.s32 $0x0;
	s20 =	sshll.u32 s5, $0x1;
	s5 =	sadd.s32 s21, s3  }
0xa3: {  	[timem:s7], [sflag:s22] =	dma.local [hbm:s5], s20  }
0xa4: {  	_ =	swait.ge [sflag:s22], s20  }
0xa5: {  	s4 =	ssub.s32 $0x0, s20;
	[sflag:s22] =	ssyncset.done $0x0  }
0xa6: {  	[sflag:s22] =	ssyncadd.s32 s4;
	_ =	sdelay $0x1  }
0xa7: {  	s23 =	simm.s32 $0x1B8B  }
0xa8: {  	_ =	swait.ge [sflag:s23], $0x1  }
0xa9: {  	[sflag:s23] =	ssyncset.done $0x0  }
0xaa: {  	s25 =	simm.s32 $0x1B8E;
	s24 =	sld [smem:$0x3FFE];
	[sflag:s23] =	ssyncadd.s32 $0xFFFFFFFF  }
0xab: {  	s26 =	simm.s32 $execute0_lowered;
	[smem:$0x3FD2] =	sst s25  }
0xac: {  	s5 =	sshll.u32 s26, $0x1;
	_ =	strace $0x8000004F;
	[dreg:$0x1] =	wrdreg $0xFFFFFFFF  }
0xad: {  	s28 =	simm.s32 $_size_execute0_lowered;
	s3 =	sadd.s32 s3, s5;
	[dreg:$0x0] =	wrdreg $0x0  }
0xae: {  	s5 =	sshll.u32 s28, $0x1;
	[dreg:$0x2] =	wrdreg s3  }
0xaf: {  	[dreg:$0x3] =	wrdreg s5  }
0xb0: {  	[dreg:$0x4] =	wrdreg $0xC0  }
0xb1: {  	_ =	task [dreg:s7], $0x5FFFF  }
0xb2: {  	[dreg:$0x1] =	wrdreg $0xFFFFFFFF  }
0xb3: {  	[dreg:$0x0] =	wrdreg $0x60  }
0xb4: {  	[dreg:$0x2] =	wrdreg s16  }
0xb5: {  	[dreg:$0x3] =	wrdreg s24  }
0xb6: {  	[dreg:$0x4] =	wrdreg $0x9  }
0xb7: {  	_ =	task.clear_ibuf [dreg:s7], $0x5FFFF;
	_ =	strace $0x9000004F  }
0xb8: {  	s29 =	simm.s32 $0x9;
	_ =	strace $0x80000051  }
0xb9: {  	_ =	swait.ge [sflag:s29], $0x1  }
0xba: {  	[sflag:s29] =	ssyncadd.s32 $0xFFFFFFFF  }
0xbb: {  	_ =	strace $0x90000051  }
0xbc: {  	_ =	sfence  }
0xbd: {  	s30 =	sld [smem:$0x0];
	_ =	sdelay $0x2  }
0xbe: {  	s31 =	sshll.u32 s1, $0xD;
	s1 =	sshrl.u32 s1, $0x2  }
0xbf: {  	s3 =	sand.u32 $0x4000, s31;
	s1 =	sadd.s32 s1, s30  }
0xc0: {  	s0 =	sor.u32 s3, s0;
	s1 =	sshll.u32 s1, $0x11  }
0xc1: {  	s0 =	sor.u32 s1, s0  }
0xc2: {  	s0 =	sadd.s32 $0x8F2B, s0  }
0xc3: {  	[sflag:s0] =	ssyncadd.remote.s32 $0x1  }
0xc4: {  	_ =	sfence.sel $0xFFFF  }
0xc5: {  	[dreg:$0x0] =	wrdreg $0xFFFFFFFF;
	(pc) =	sbr.abs _section_cstart, $3  }
0xc6: {  	[dreg:$0x1] =	wrdreg $0xFFFFFFFF  }
0xc7: {  	_ =	task.clear_ibuf [dreg:s7], $0x2FFFF;
	_ =	strace $0x9FFFFFFF  }
0xc8: {  	(tm) =	ssettm $0x7FFFFFFF  }
0xc9: {  	_ =	shalt  }
tec
execute0_lowered:
.L_overlay_start_1:
0x0: {  	(tag) =	ssettag $0x1  }
0x1: {  	s0 =	srdreg.scid;
	s2 =	rddreg [dreg:$0x0]  }
0x2: {  	s5 =	rddreg [dreg:$0x1];
	s3 =	simm.s32 $0x0;
	s9 =	simm.s32 $0x1  }
0x3: {  	s10 =	simm.s32 $0x2800;
	s11 =	simm.s32 $0x80;
	s12 =	simm.s32 $0x100  }
0x4: {  	s13 =	simm.s32 $0x5000;
	s14 =	simm.s32 $0x7800;
	s4 =	sand.u32 $0x1, s0  }
0x5: {  	s15 =	simm.s32 $0xA000;
	s0 =	stileid.u32;
	s1 =	sshll.u32 s4, $0x4  }
0x6: {  	s16 =	simm.s32 $0x0;
	s4 =	ssub.s32 $0x2, s4;
	s1 =	sor.u32 s0, s1  }
0x7: {  	[smem:$0x7FF] =	sst s3;
	s31 =	sshrl.u32 s4, $0x1;
	s6 =	smul.u32 $0x500, s1  }
0x8: {  	s1 =	rddreg [dreg:$0x2];
	_ =	strace $0x80000050;
	s8 =	ssub.s32 s4, s31  }
0x9: {  	s8 =	smax.u32 s8, $0x1;
	s7 =	sadd.s32 s6, s5;
	s6 =	sadd.s32 $0x10, s2  }
0xa: {  	s4 =	sadd.s32 $0xCE00, s7;
	s5 =	sadd.s32 $0x2E00, s7;
	s7 =	sadd.s32 $0x16E00, s7  }
.LBB2_1:
0xb: {  	[tilespmem:s3], [sflag:$0x1] =	stream.linear.gather [hbm4b:s4+s3], $0x2780, $0x38;
	[tilespmem:$0xC800] =	vst v63  }
0xc: {  	_ =	swait.ge [sflag:s9], $0x2780  }
0xd: {  	[sflag:s9] =	ssyncset.done $0x0  }
0xe: {  	[sflag:s9] =	ssyncadd.s32 $0xFFFFD880  }
0xf: {  	[tilespmem:s10], [sflag:$0x1] =	stream.linear.gather [hbm4b:s5+s3], $0x2780, $0x38;
	[tilespmem:$0xC800] =	vst v63  }
0x10: {  	_ =	swait.ge [sflag:s9], $0x2780  }
0x11: {  	[sflag:s9] =	ssyncset.done $0x0  }
0x12: {  	[sflag:s9] =	ssyncadd.s32 $0xFFFFD880  }
0x13: {  	[tilespmem:s13], [sflag:$0x1] =	stream.strided.gather [hbm4b:s2+s11], $0x2800, s12, s11, $0x38;
	[tilespmem:$0xC800] =	vst v63  }
0x14: {  	_ =	swait.ge [sflag:s9], $0x2800  }
0x15: {  	[sflag:s9] =	ssyncset.done $0x0  }
0x16: {  	[sflag:s9] =	ssyncadd.s32 $0xFFFFD800  }
0x17: {  	[tilespmem:s14], [sflag:$0x1] =	stream.strided.gather [hbm4b:s6+s11], $0x2800, s12, s11, $0x38;
	[tilespmem:$0xC800] =	vst v63  }
0x18: {  	_ =	swait.ge [sflag:s9], $0x2800  }
0x19: {  	[sflag:s9] =	ssyncset.done $0x0  }
0x1a: {  	s17 =	simm.s32 $0x0;
	[sflag:s9] =	ssyncadd.s32 $0xFFFFD800  }
0x1b: {  	v0 =	vld [tilespmem:s17+$0x2800]  }
0x1c: {  	v1 =	vld [tilespmem:s17+$0x0];
	_ =	sdelay $0x6  }
0x1d: {  	v0 =	vld.idx.msk [tilespmem:v0+s14+$0x0], $0xffff  }
0x1e: {  	v1 =	vld.idx.msk [tilespmem:v1+s13+$0x0], $0xffff;
	_ =	sdelay $0x4  }
0x1f: {  	v0 =	vadd.f32 v0, v1;
	_ =	sdelay $0x1  }
0x20: {  	v0 =	vsub.f32 $0.0e+00, v0;
	_ =	sdelay $0x1  }
0x21: {  	v0 =	vmul.f32 $1.442695020e+00, v0;
	_ =	sdelay $0x1  }
0x22: {  	(erf) = vpow2.f32 v0;
	_ =	sdelay $0x8  }
0x23: {  	v0 =	vpop (erf)  }
0x24: {  	v0 =	vadd.f32 $1.000000000e+00, v0;
	_ =	sdelay $0x1  }
0x25: {  	(erf) = vrcp.f32 v0;
	_ =	sdelay $0x1  }
0x26: {  	s19 =	simm.s32 $0x10  }
0x27: {  	s18 =	simm.s32 $0x80;
	v0 =	vld [tilespmem:s19+$0x2800]  }
.LBB2_2:
0x28: {  	p0 =	sne.s32 s18, $0x9DC0;
	v1 =	vld [tilespmem:s19+$0x0];
	_ =	sdelay $0x4  }
0x29: {  	v2 =	vpop (erf)  }
0x2a: {  	[tilespmem:s17+$0xA000] =	vst v2;
	s17 =	smov.u32 s19  }
0x2b: {  	v0 =	vld.idx.msk [tilespmem:v0+s14+$0x0], $0xffff  }
0x2c: {  	v1 =	vld.idx.msk [tilespmem:v1+s13+$0x0], $0xffff;
	_ =	sdelay $0x5  }
0x2d: {  	v0 =	vadd.f32 v0, v1;
	_ =	sdelay $0x1  }
0x2e: {  	v0 =	vsub.f32 $0.0e+00, v0;
	_ =	sdelay $0x1  }
0x2f: {  	v0 =	vmul.f32 $1.442695020e+00, v0;
	_ =	sdelay $0x1  }
0x30: {  	(erf) = vpow2.f32 v0;
	_ =	sdelay $0x8  }
0x31: {  	v0 =	vpop (erf)  }
0x32: {  	v0 =	vadd.f32 $1.000000000e+00, v0  }
.Ltmp0:
0x33: {  	(pc) =	sbr.rel @p0 .LBB2_2-.Ltmp0, $3  }
0x34: {  	(erf) = vrcp.f32 v0;
	_ =	sdelay $0x1  }
0x35: {  	s19 =	sshra.s32 s18, $0x2  }
0x36: {  	s18 =	sadd.s32 $0x40, s18;
	v0 =	vld [tilespmem:s19+$0x2800]  }
0x37: {  	_ = 	snop  }
0x38: {  	v1 =	vld [tilespmem:s19+$0x0];
	_ =	sdelay $0x4  }
0x39: {  	v2 =	vpop (erf)  }
0x3a: {  	[tilespmem:s17+$0xA000] =	vst v2  }
0x3b: {  	v0 =	vld.idx.msk [tilespmem:v0+s14+$0x0], $0xffff  }
0x3c: {  	v1 =	vld.idx.msk [tilespmem:v1+s13+$0x0], $0xffff;
	_ =	sdelay $0x4  }
0x3d: {  	v0 =	vadd.f32 v0, v1;
	_ =	sdelay $0x1  }
0x3e: {  	v0 =	vsub.f32 $0.0e+00, v0;
	_ =	sdelay $0x1  }
0x3f: {  	v0 =	vmul.f32 $1.442695020e+00, v0;
	_ =	sdelay $0x1  }
0x40: {  	(erf) = vpow2.f32 v0;
	_ =	sdelay $0x8  }
0x41: {  	v0 =	vpop (erf)  }
0x42: {  	v0 =	vadd.f32 $1.000000000e+00, v0;
	_ =	sdelay $0x1  }
0x43: {  	(erf) = vrcp.f32 v0;
	_ =	sdelay $0x7  }
0x44: {  	s16 =	sadd.s32 $0x1, s16  }
0x45: {  	p0 =	sne.s32 s16, s8;
	v0 =	vpop (erf)  }
.Ltmp1:
0x46: {  	[tilespmem:s19+$0xA000] =	vst v0;
	(pc) =	sbr.rel @p0 .LBB2_1-.Ltmp1, $4  }
0x47: {  	[hbm4b:s7+s3] =	stream.linear.scatter [tilespmem:s15], [sflag:$0x1], $0x2780, $0x38;
	[tilespmem:$0xC800] =	vst v63  }
0x48: {  	_ =	swait.ge [sflag:s9], $0x2780  }
0x49: {  	[sflag:s9] =	ssyncset.done $0x0  }
0x4a: {  	[sflag:s9] =	ssyncadd.s32 $0xFFFFD880  }
0x4b: {  	_ =	sfence.sel $0x180000  }
0x4c: {  	[bflag:$0x0] =	sbarrier.arrive $0xFFFF  }
0x4d: {  	p0 =	sne.s32 s0, $0x0;
	_ =	strace $0x90000050  }
0x4e: {  	s0 =	sadd.s32 @!p0 $0x100000, s1;
	[bflag:$0x2] =	sbarrier.arrive $0xFFFF  }
0x4f: {  	[sflag:s0] =	ssyncadd.tile.s32 @!p0 $0x1;
	_ =	shalt  }
.Lfunc_end2:
_tile_overlayer_lowered:
.L_overlay_start_2:
0x50: {  	(tag) =	ssettag $0x2  }
0x51: {  	s0 =	rddreg [dreg:$0x0];
	s2 =	stileid.u32  }
0x52: {  	s1 =	rddreg [dreg:$0x1];
	p0 =	sne.s32 s2, $0x0  }
0x53: {  	s3 =	rddreg [dreg:$0x2];
	[bflag:$0x3] =	sbarrier.arrive $0xFFFF;
	s2 =	simm.s32 @!p0 $0x1C01  }
0x54: {  	[timem:s3], [sflag:s2] =	dma.local @!p0 [hbm:s0], s1  }
0x55: {  	s0 =	simm.s32 @!p0 $0x1  }
0x56: {  	_ =	swait.ge @!p0 [sflag:s0], s1  }
0x57: {  	s1 =	ssub.s32 @!p0 $0x0, s1;
	[sflag:s0] =	ssyncset.done @!p0 $0x0  }
0x58: {  	[sflag:s0] =	ssyncadd.s32 @!p0 s1  }
0x59: {  	[bflag:$0x3] =	sbarrier.arrive $0xFFFF  }
0x5a: {  	_ =	shalt  }

// kernel: kernel.9.cloned.1.call-start
scs
__scs_entry_jumppad:
0x0: {  	(pc) =	sbr.rel $0x88, $3  }
0x1: {  	(tag) =	ssettag $0x0;
	lr =	simm.s32 $0x1  }
0x2: {  	[smem:$0x3F95] =	sst lr;
	_ =	strace $0xD0000000  }
0x3: {  	_ = 	snop  }
0x4: {  	_ = 	snop  }
0x5: {  	_ = 	snop  }
0x6: {  	_ = 	snop  }
0x7: {  	_ = 	snop  }
__scs_overlays_trampoline_lowered:
0x8: {  	[smem:$0x3FA4] =	sst s0  }
0x9: {  	[smem:$0x3FA5] =	sst s1  }
0xa: {  	[smem:$0x3FA6] =	sst s2  }
0xb: {  	[smem:$0x3FA7] =	sst s3  }
0xc: {  	[smem:$0x3FA8] =	sst s4  }
0xd: {  	[smem:$0x3FA9] =	sst s5  }
0xe: {  	[smem:$0x3FAA] =	sst s6  }
0xf: {  	[smem:$0x3FAB] =	sst s7  }
0x10: {  	[smem:$0x3FAC] =	sst s8  }
0x11: {  	[smem:$0x3FAD] =	sst s9;
	s0 =	simm.s32 @!p0 $0x0  }
0x12: {  	s1 =	sld [smem:$0x3F93];
	s0 =	simm.s32 @p0 $0x1  }
0x13: {  	[smem:$0x3FAE] =	sst s0;
	s0 =	simm.s32 @!p1 $0x0  }
0x14: {  	s2 =	sld [smem:$0x3F92];
	s0 =	simm.s32 @p1 $0x1  }
0x15: {  	[smem:$0x3FAF] =	sst s0;
	s0 =	simm.s32 @!p2 $0x0  }
0x16: {  	s3 =	sld [smem:$0x3FDB];
	s0 =	simm.s32 @p2 $0x1  }
0x17: {  	s4 =	simm.s32 $0x1BF5;
	[smem:$0x3FB1] =	sst s0  }
0x18: {  	s0 =	sld [smem:$0x3F94];
	_ =	swait.ge [sflag:s4], $0x0  }
0x19: {  	s7 =	sld [smem:$0x3F95]  }
0x1a: {  	s8 =	sadd.s32 $0xFFFFE003, lr  }
0x1b: {  	s9 =	sadd.s32 $0xFFFFFEF7, lr;
	s5 =	simm.s32 $0xFFFFFFFF;
	p2 =	slt.u32 s8, $0xFFFFF086  }
0x1c: {  	p1 =	slt.u32 s9, $0xF7A;
	s5 =	simm.s32 @!p2 $0x0  }
0x1d: {  	s5 =	simm.s32 @p1 $0x1;
	p0 =	seq.s32 s7, s2  }
0x1e: {  	s7 =	smul.u32 @!p0 $0xF7A, s2;
	p2 =	seq.s32 @!p0 s5, $0x0  }
0x1f: {  	s9 =	smul.u32 $0xF7A, s1;
	s8 =	simm.s32 @!p0 $0x1BF5;
	p2 =	por !p2, p0  }
0x20: {  	[sflag:s8] =	ssyncset.s32 @!p0 $0xFFFFF086;
	s6 =	sadd.s32 @!p0 s3, s7;
	s7 =	simm.s32 @!p0 $0x108  }
0x21: {  	s3 =	sadd.s32 s3, s9;
	s6 =	sadd.s32 @!p0 $0x88, s6;
	s7 =	simm.s32 @p2 $0x1082  }
0x22: {  	[simem:s7], [sflag:s8] =	dma.local @!p0 [hbm:s6], $0xF7A  }
0x23: {  	s9 =	sor.u32 $0xD0000000, s2;
	s6 =	simm.s32 $0x108;
	_ =	swait.ge @!p0 [sflag:s8], $0x0  }
0x24: {  	s3 =	sadd.s32 $0x88, s3;
	s6 =	simm.s32 @!p1 $0x1082;
	[sflag:s4] =	ssyncset.s32 $0xFFFFF086  }
0x25: {  	[simem:s6], [sflag:s4] =	dma.local [hbm:s3], $0xF7A  }
0x26: {  	[smem:$0x3F95] =	sst s1;
	(tag) =	ssettag s2;
	_ =	strace s9  }
0x27: {  	s1 =	sld [smem:$0x3FA5]  }
0x28: {  	s2 =	sld [smem:$0x3FA6]  }
0x29: {  	s4 =	sld [smem:$0x3FA8]  }
0x2a: {  	p0 =	seq.s32 s5, $0x0;
	s5 =	sld [smem:$0x3FA9]  }
0x2b: {  	s6 =	sld [smem:$0x3FAA]  }
0x2c: {  	s7 =	sld [smem:$0x3FAB]  }
0x2d: {  	s3 =	simm.s32 $0x108;
	s8 =	sld [smem:$0x3FAC]  }
0x2e: {  	s3 =	simm.s32 @!p0 $0x1082;
	s9 =	sld [smem:$0x3FAD]  }
0x2f: {  	lr =	sadd.s32 s0, s3;
	s0 =	sld [smem:$0x3FA4]  }
0x30: {  	s3 =	sld [smem:$0x3FA7]  }
0x31: {  	[smem:$0x3FB0] =	sst s10  }
0x32: {  	s10 =	sld [smem:$0x3FAE];
	_ =	sdelay $0x3  }
0x33: {  	p0 =	seq.s32 s10, $0x1;
	s10 =	sld [smem:$0x3FB0];
	_ =	sdelay $0x3  }
0x34: {  	[smem:$0x3FB0] =	sst s10  }
0x35: {  	s10 =	sld [smem:$0x3FAF];
	_ =	sdelay $0x3  }
0x36: {  	p1 =	seq.s32 s10, $0x1;
	s10 =	sld [smem:$0x3FB0];
	_ =	sdelay $0x3  }
0x37: {  	[smem:$0x3FB0] =	sst s10  }
0x38: {  	s10 =	sld [smem:$0x3FB1]  }
0x39: {  	_ = 	snop;
	(pc) =	sbr.ind lr, $3  }
0x3a: {  	_ = 	snop  }
0x3b: {  	_ = 	snop  }
0x3c: {  	p2 =	seq.s32 s10, $0x1;
	s10 =	sld [smem:$0x3FB0]  }
0x3d: {  	_ =	shalt  }
0x3e: {  	_ =	shalt  }
0x3f: {  	_ =	shalt  }
0x40: {  	_ =	shalt  }
0x41: {  	_ =	shalt  }
0x42: {  	_ =	shalt  }
0x43: {  	_ =	shalt  }
0x44: {  	_ =	shalt  }
0x45: {  	_ =	shalt  }
0x46: {  	_ =	shalt  }
0x47: {  	_ =	shalt  }
0x48: {  	_ =	shalt  }
0x49: {  	_ =	shalt  }
0x4a: {  	_ =	shalt  }
0x4b: {  	_ =	shalt  }
0x4c: {  	_ =	shalt  }
0x4d: {  	_ =	shalt  }
0x4e: {  	_ =	shalt  }
0x4f: {  	_ =	shalt  }
0x50: {  	_ =	shalt  }
0x51: {  	_ =	shalt  }
0x52: {  	_ =	shalt  }
0x53: {  	_ =	shalt  }
0x54: {  	_ =	shalt  }
0x55: {  	_ =	shalt  }
0x56: {  	_ =	shalt  }
0x57: {  	_ =	shalt  }
0x58: {  	_ =	shalt  }
0x59: {  	_ =	shalt  }
0x5a: {  	_ =	shalt  }
0x5b: {  	_ =	shalt  }
0x5c: {  	_ =	shalt  }
0x5d: {  	_ =	shalt  }
0x5e: {  	_ =	shalt  }
0x5f: {  	_ =	shalt  }
0x60: {  	_ =	shalt  }
0x61: {  	_ =	shalt  }
0x62: {  	_ =	shalt  }
0x63: {  	_ =	shalt  }
0x64: {  	_ =	shalt  }
0x65: {  	_ =	shalt  }
0x66: {  	_ =	shalt  }
0x67: {  	_ =	shalt  }
0x68: {  	_ =	shalt  }
0x69: {  	_ =	shalt  }
0x6a: {  	_ =	shalt  }
0x6b: {  	_ =	shalt  }
0x6c: {  	_ =	shalt  }
0x6d: {  	_ =	shalt  }
0x6e: {  	_ =	shalt  }
0x6f: {  	_ =	shalt  }
0x70: {  	_ =	shalt  }
0x71: {  	_ =	shalt  }
0x72: {  	_ =	shalt  }
0x73: {  	_ =	shalt  }
0x74: {  	_ =	shalt  }
0x75: {  	_ =	shalt  }
0x76: {  	_ =	shalt  }
0x77: {  	_ =	shalt  }
0x78: {  	_ =	shalt  }
0x79: {  	_ =	shalt  }
0x7a: {  	_ =	shalt  }
0x7b: {  	_ =	shalt  }
0x7c: {  	_ =	shalt  }
0x7d: {  	_ =	shalt  }
0x7e: {  	_ =	shalt  }
0x7f: {  	_ =	shalt  }
0x80: {  	_ =	shalt  }
0x81: {  	_ =	shalt  }
0x82: {  	_ =	shalt  }
0x83: {  	_ =	shalt  }
0x84: {  	_ =	shalt  }
0x85: {  	_ =	shalt  }
0x86: {  	_ =	shalt  }
0x87: {  	_ =	shalt  }
.Lfunc_end0:
.L_simem_size_0:
called_computation_lowered:
.L_overlay_start_0:
0x88: {  	s2 =	sld [smem:$0x3FD9]  }
0x89: {  	s3 =	sld [smem:$0x3FFE];
	_ =	sdelay $0x1  }
0x8a: {  	s1 =	srdreg.scid  }
0x8b: {  	s0 =	sand.u32 $0x1, s1  }
0x8c: {  	s14 =	sshll.u32 s0, $0xA;
	s2 =	sadd.s32 s3, s2  }
0x8d: {  	s2 =	sadd.s32 s2, s14  }
0x8e: {  	[smem:$0x3FBC] =	sst s2  }
0x8f: {  	_ = 	snop  }
0x90: {  	s2 =	sld [smem:$0x3FD0];
	_ =	sdelay $0x2  }
0x91: {  	s15 =	simm.s32 $0xA;
	s4 =	simm.s32 $0x10  }
0x92: {  	[smem:s4], [sflag:s15] =	dma.local [hbm:s2], $0x1  }
0x93: {  	_ =	swait.eq [sflag:s15], $0x1  }
0x94: {  	[sflag:s15] =	ssyncset.done $0x0  }
0x95: {  	[sflag:s15] =	ssyncadd.s32 $0xFFFFFFFF  }
0x96: {  	s16 =	sld [smem:$0x10];
	(tm) =	ssettm $0x1  }
0x97: {  	s17 =	sld [smem:$0x3FFB];
	_ =	sdelay $0x3  }
0x98: {  	_ =	strace s17  }
0x99: {  	s3 =	sld [smem:$0x3FFC];
	_ =	sdelay $0x3  }
0x9a: {  	_ =	strace s3  }
0x9b: {  	s3 =	sld [smem:$0x3FFD];
	_ =	sdelay $0x3  }
0x9c: {  	_ =	strace s3  }
0x9d: {  	_ =	strace $0x8FFFFFFF  }
0x9e: {  	s18 =	sld [smem:$0x3FDB];
	_ =	sdelay $0x1  }
0x9f: {  	s19 =	simm.s32 $_scs_section_size  }
0xa0: {  	s5 =	simm.s32 $_size__tile_overlayer_lowered;
	s6 =	simm.s32 $_tile_overlayer_lowered  }
0xa1: {  	s22 =	simm.s32 $0x1BFF;
	s21 =	sshll.u32 s6, $0x1;
	s3 =	sadd.s32 s19, s18  }
0xa2: {  	s7 =	simm.s32 $0x0;
	s20 =	sshll.u32 s5, $0x1;
	s5 =	sadd.s32 s21, s3  }
0xa3: {  	[timem:s7], [sflag:s22] =	dma.local [hbm:s5], s20  }
0xa4: {  	_ =	swait.ge [sflag:s22], s20  }
0xa5: {  	s4 =	ssub.s32 $0x0, s20;
	[sflag:s22] =	ssyncset.done $0x0  }
0xa6: {  	[sflag:s22] =	ssyncadd.s32 s4;
	_ =	sdelay $0x1  }
0xa7: {  	s23 =	simm.s32 $0x1B8B  }
0xa8: {  	_ =	swait.ge [sflag:s23], $0x1  }
0xa9: {  	[sflag:s23] =	ssyncset.done $0x0  }
0xaa: {  	s25 =	simm.s32 $0x1B8E;
	s24 =	sld [smem:$0x3FFE];
	[sflag:s23] =	ssyncadd.s32 $0xFFFFFFFF  }
0xab: {  	s26 =	simm.s32 $execute0_lowered;
	[smem:$0x3FD2] =	sst s25  }
0xac: {  	s5 =	sshll.u32 s26, $0x1;
	_ =	strace $0x80000046;
	[dreg:$0x1] =	wrdreg $0xFFFFFFFF  }
0xad: {  	s28 =	simm.s32 $_size_execute0_lowered;
	s3 =	sadd.s32 s3, s5;
	[dreg:$0x0] =	wrdreg $0x0  }
0xae: {  	s5 =	sshll.u32 s28, $0x1;
	[dreg:$0x2] =	wrdreg s3  }
0xaf: {  	[dreg:$0x3] =	wrdreg s5  }
0xb0: {  	[dreg:$0x4] =	wrdreg $0xC0  }
0xb1: {  	_ =	task [dreg:s7], $0x5FFFF  }
0xb2: {  	[dreg:$0x1] =	wrdreg $0xFFFFFFFF  }
0xb3: {  	[dreg:$0x0] =	wrdreg $0x60  }
0xb4: {  	[dreg:$0x2] =	wrdreg s24  }
0xb5: {  	[dreg:$0x3] =	wrdreg s16  }
0xb6: {  	[dreg:$0x4] =	wrdreg $0x55000  }
0xb7: {  	[dreg:$0x5] =	wrdreg $0x9  }
0xb8: {  	_ =	task.clear_ibuf [dreg:s7], $0x6FFFF;
	_ =	strace $0x90000046  }
0xb9: {  	s29 =	simm.s32 $0x9;
	_ =	strace $0x80000048  }
0xba: {  	_ =	swait.ge [sflag:s29], $0x1  }
0xbb: {  	[sflag:s29] =	ssyncadd.s32 $0xFFFFFFFF  }
0xbc: {  	_ =	strace $0x90000048  }
0xbd: {  	_ =	sfence  }
0xbe: {  	s30 =	sld [smem:$0x0];
	_ =	sdelay $0x2  }
0xbf: {  	s31 =	sshll.u32 s1, $0xD;
	s1 =	sshrl.u32 s1, $0x2  }
0xc0: {  	s3 =	sand.u32 $0x4000, s31;
	s1 =	sadd.s32 s1, s30  }
0xc1: {  	s0 =	sor.u32 s3, s0;
	s1 =	sshll.u32 s1, $0x11  }
0xc2: {  	s0 =	sor.u32 s1, s0  }
0xc3: {  	s0 =	sadd.s32 $0x8F2B, s0  }
0xc4: {  	[sflag:s0] =	ssyncadd.remote.s32 $0x1  }
0xc5: {  	_ =	sfence.sel $0xFFFF  }
0xc6: {  	[dreg:$0x0] =	wrdreg $0xFFFFFFFF;
	(pc) =	sbr.abs _section_cstart, $3  }
0xc7: {  	[dreg:$0x1] =	wrdreg $0xFFFFFFFF  }
0xc8: {  	_ =	task.clear_ibuf [dreg:s7], $0x2FFFF;
	_ =	strace $0x9FFFFFFF  }
0xc9: {  	(tm) =	ssettm $0x7FFFFFFF  }
tec
execute0_lowered:
.L_overlay_start_1:
0x0: {  	(tag) =	ssettag $0x1  }
0x1: {  	s3 =	rddreg [dreg:$0x0]  }
0x2: {  	s0 =	srdreg.scid;
	s6 =	rddreg [dreg:$0x1]  }
0x3: {  	s5 =	rddreg [dreg:$0x2];
	s1 =	stileid.u32;
	s2 =	simm.s32 $0x0  }
0x4: {  	s12 =	simm.s32 $0x5000;
	s13 =	simm.s32 $0x100;
	s14 =	simm.s32 $0x5280  }
0x5: {  	s15 =	simm.s32 $0x0;
	s4 =	sand.u32 $0x1, s0;
	s0 =	rddreg [dreg:$0x3]  }
0x6: {  	[smem:$0x7FF] =	sst s2;
	s9 =	sshrl.u32 s1, $0x3;
	s28 =	smul.u32 $0x500, s1  }
0x7: {  	s10 =	sshll.u32 s1, $0x7;
	s11 =	smul.u32 $0x5000, s1;
	s7 =	sshll.u32 s4, $0x4  }
0x8: {  	_ =	strace $0x80000047;
	s8 =	ssub.s32 $0x2, s4;
	s9 =	smul.u32 $0x50000, s9  }
0x9: {  	s4 =	sshll.u32 s4, $0x7;
	s10 =	sand.u32 $0x380, s10;
	s7 =	sor.u32 s1, s7  }
0xa: {  	s26 =	sshrl.u32 s8, $0x1;
	s4 =	sor.u32 s4, s28;
	s30 =	sshrl.u32 s11, $0x2  }
0xb: {  	s11 =	simm.s32 $0x400;
	s7 =	smul.u32 $0x500, s7;
	s9 =	sshrl.u32 s9, $0x2  }
0xc: {  	s31 =	sshrl.u32 s4, $0x3;
	s29 =	sadd.s32 s9, s5;
	s5 =	sadd.s32 s30, s5  }
0xd: {  	s6 =	sadd.s32 s6, s31;
	s9 =	simm.s32 $0x2800;
	s3 =	sadd.s32 s7, s3  }
0xe: {  	s7 =	ssub.s32 s8, s26;
	s4 =	sadd.s32 s10, s29;
	s8 =	simm.s32 $0x1  }
0xf: {  	v0 =	vimm.f32 $0.0e+00;
	v1 =	vimm.f32 $1.000000000e+00;
	s10 =	simm.s32 $0x80;
	s3 =	sadd.s32 $0x2E00, s3;
	s7 =	smax.u32 s7, $0x1  }
.LBB2_1:
0x10: {  	[tilespmem:s2], [sflag:$0x1] =	stream.linear.gather [hbm4b:s3+s2], $0x2780, $0x38;
	[tilespmem:$0x7D00] =	vst v63  }
0x11: {  	_ =	swait.ge [sflag:s8], $0x2780  }
0x12: {  	[sflag:s8] =	ssyncset.done $0x0  }
0x13: {  	s16 =	simm.s32 $0x0;
	[sflag:s8] =	ssyncadd.s32 $0xFFFFD880  }
.LBB2_2:
0x14: {  	p0 =	sne.s32 s16, $0x9FC0  }
.Ltmp0:
0x15: {  	_ = 	snop;
	(pc) =	sbr.rel @p0 .LBB2_2-.Ltmp0, $3  }
0x16: {  	_ =	sdelay $0x1  }
0x17: {  	s17 =	sshra.s32 s16, $0x2  }
0x18: {  	s16 =	sadd.s32 $0x40, s16;
	[tilespmem:s17+$0x2800] =	vst v0  }
0x19: {  	s16 =	simm.s32 $0x0  }
0x1a: {  	s17 =	sand.u32 $0xFE00, s16  }
0x1b: {  	s16 =	sand.u32 $0x70, s16;
	s17 =	sshrl.u32 s17, $0x2  }
0x1c: {  	s16 =	sor.u32 s16, s17  }
0x1d: {  	v2 =	vld [tilespmem:s16+$0x0];
	_ =	sdelay $0x4  }
0x1e: {  	s18 =	simm.s32 $0x40  }
0x1f: {  	s18 =	sand.u32 $0xFE00, s18;
	s17 =	simm.s32 $0x80;
	s16 =	simm.s32 $0x10  }
.LBB2_4:
0x20: {  	p0 =	sne.s32 s17, $0x9DC0;
	s19 =	sand.u32 $0x70, s16;
	s18 =	sshrl.u32 s18, $0x2  }
0x21: {  	s18 =	sor.u32 s19, s18;
	[tilespmem:v2+s9+$0x0] =	vst.idx.add.f32.msk $0xffff, v1  }
0x22: {  	v2 =	vld [tilespmem:s18+$0x0];
	_ =	sdelay $0x1  }
.Ltmp1:
0x23: {  	(pc) =	sbr.rel @p0 .LBB2_4-.Ltmp1, $2  }
0x24: {  	_ =	sdelay $0x2  }
0x25: {  	s16 =	sadd.s32 $0x10, s16;
	s18 =	sand.u32 $0xFE00, s17;
	s17 =	sadd.s32 $0x40, s17  }
0x26: {  	_ =	sdelay $0x2  }
0x27: {  	s16 =	sand.u32 $0x70, s16;
	s17 =	sshrl.u32 s18, $0x2  }
0x28: {  	[tilespmem:v2+s9+$0x0] =	vst.idx.add.f32.msk $0xffff, v1;
	s16 =	sor.u32 s16, s17  }
0x29: {  	v2 =	vld [tilespmem:s16+$0x0];
	_ =	sdelay $0x7  }
0x2a: {  	[tilespmem:v2+s9+$0x0] =	vst.idx.add.f32.msk $0xffff, v1  }
0x2b: {  	[spmem:s4] =	stream.strided.scatter [tilespmem:s9], [sflag:$0x1], $0x2800, s11, s10, $0x38;
	[tilespmem:$0x7D00] =	vst v63  }
0x2c: {  	_ =	swait.ge [sflag:s8], $0x2800  }
0x2d: {  	[sflag:s8] =	ssyncset.done $0x0  }
0x2e: {  	[sflag:s8] =	ssyncadd.s32 $0xFFFFD800  }
0x2f: {  	[bflag:$0x0] =	sbarrier.arrive $0xFFFF  }
0x30: {  	[tilespmem:$0x5280] =	vst v0  }
0x31: {  	[tilespmem:$0x5290] =	vst v0  }
0x32: {  	[tilespmem:$0x52A0] =	vst v0  }
0x33: {  	[tilespmem:$0x52B0] =	vst v0  }
0x34: {  	[tilespmem:$0x52C0] =	vst v0  }
0x35: {  	[tilespmem:$0x52D0] =	vst v0  }
0x36: {  	[tilespmem:$0x52E0] =	vst v0  }
0x37: {  	[tilespmem:$0x52F0] =	vst v0  }
0x38: {  	[tilespmem:$0x5300] =	vst v0  }
0x39: {  	[tilespmem:$0x5310] =	vst v0  }
0x3a: {  	[tilespmem:$0x5320] =	vst v0  }
0x3b: {  	[tilespmem:$0x5330] =	vst v0  }
0x3c: {  	[tilespmem:$0x5340] =	vst v0  }
0x3d: {  	[tilespmem:$0x5350] =	vst v0  }
0x3e: {  	[tilespmem:$0x5360] =	vst v0  }
0x3f: {  	[tilespmem:$0x5370] =	vst v0  }
0x40: {  	[tilespmem:$0x5380] =	vst v0  }
0x41: {  	[tilespmem:$0x5390] =	vst v0  }
0x42: {  	[tilespmem:$0x53A0] =	vst v0  }
0x43: {  	[tilespmem:$0x53B0] =	vst v0  }
0x44: {  	[tilespmem:$0x53C0] =	vst v0  }
0x45: {  	[tilespmem:$0x53D0] =	vst v0  }
0x46: {  	[tilespmem:$0x53E0] =	vst v0  }
0x47: {  	[tilespmem:$0x53F0] =	vst v0  }
0x48: {  	[tilespmem:$0x5400] =	vst v0  }
0x49: {  	[tilespmem:$0x5410] =	vst v0  }
0x4a: {  	[tilespmem:$0x5420] =	vst v0  }
0x4b: {  	[tilespmem:$0x5430] =	vst v0  }
0x4c: {  	[tilespmem:$0x5440] =	vst v0  }
0x4d: {  	[tilespmem:$0x5450] =	vst v0  }
0x4e: {  	[tilespmem:$0x5460] =	vst v0  }
0x4f: {  	[tilespmem:$0x5470] =	vst v0  }
0x50: {  	[tilespmem:$0x5480] =	vst v0  }
0x51: {  	[tilespmem:$0x5490] =	vst v0  }
0x52: {  	[tilespmem:$0x54A0] =	vst v0  }
0x53: {  	[tilespmem:$0x54B0] =	vst v0  }
0x54: {  	[tilespmem:$0x54C0] =	vst v0  }
0x55: {  	[tilespmem:$0x54D0] =	vst v0  }
0x56: {  	[tilespmem:$0x54E0] =	vst v0  }
0x57: {  	s16 =	simm.s32 $0x0;
	[tilespmem:$0x54F0] =	vst v0  }
.LBB2_6:
0x58: {  	s17 =	sshrl.u32 s16, $0x3  }
0x59: {  	s17 =	smul.u32 $0x50000, s17;
	_ =	sdelay $0x1  }
0x5a: {  	s18 =	sshll.u32 s16, $0x7;
	s17 =	sshra.s32 s17, $0x2  }
0x5b: {  	s18 =	sand.u32 $0x380, s18;
	s17 =	sadd.s32 s17, s5  }
0x5c: {  	s17 =	sadd.s32 s18, s17  }
0x5d: {  	[tilespmem:s12], [sflag:$0x1] =	stream.strided.gather [spmem:s17], $0x280, s11, s10, $0x38;
	[tilespmem:$0x7D00] =	vst v63  }
0x5e: {  	_ =	swait.ge [sflag:s8], $0x280  }
0x5f: {  	[sflag:s8] =	ssyncset.done $0x0  }
0x60: {  	s17 =	simm.s32 $0x0;
	[sflag:s8] =	ssyncadd.s32 $0xFFFFFD80  }
0x61: {  	s18 =	simm.s32 $0x40;
	v2 =	vld [tilespmem:s17+$0x5000]  }
.LBB2_7:
0x62: {  	p0 =	sne.s32 s18, $0x9C0;
	v3 =	vld [tilespmem:s17+$0x5280];
	_ =	sdelay $0x2  }
.Ltmp2:
0x63: {  	(pc) =	sbr.rel @p0 .LBB2_7-.Ltmp2, $4  }
0x64: {  	_ = 	snop  }
0x65: {  	v3 =	vadd.f32 v2, v3  }
0x66: {  	s19 =	sshra.s32 s18, $0x2  }
0x67: {  	s18 =	sadd.s32 $0x40, s18;
	v2 =	vld [tilespmem:s19+$0x5000];
	[tilespmem:s17+$0x5280] =	vst v3;
	s17 =	smov.u32 s19  }
0x68: {  	v3 =	vld [tilespmem:s17+$0x5280]  }
0x69: {  	s16 =	sadd.s32 $0x1, s16  }
0x6a: {  	p0 =	sne.s32 s16, $0x10  }
.Ltmp3:
0x6b: {  	_ = 	snop;
	(pc) =	sbr.rel @p0 .LBB2_6-.Ltmp3, $3  }
0x6c: {  	_ = 	snop  }
0x6d: {  	v2 =	vadd.f32 v2, v3;
	_ =	sdelay $0x1  }
0x6e: {  	[tilespmem:s17+$0x5280] =	vst v2  }
0x6f: {  	s15 =	sadd.s32 $0x1, s15  }
0x70: {  	p0 =	sne.s32 s15, s7  }
.Ltmp4:
0x71: {  	_ = 	snop;
	(pc) =	sbr.rel @p0 .LBB2_1-.Ltmp4, $4  }
0x72: {  	[hbm4b:s6+s10] =	stream.strided.scatter [tilespmem:s14], [sflag:$0x1], $0x280, s13, s10, $0x38;
	[tilespmem:$0x7D00] =	vst v63  }
0x73: {  	_ =	swait.ge [sflag:s8], $0x280  }
0x74: {  	[sflag:s8] =	ssyncset.done $0x0  }
0x75: {  	[sflag:s8] =	ssyncadd.s32 $0xFFFFFD80  }
0x76: {  	_ =	sfence.sel $0x180000  }
0x77: {  	[bflag:$0x0] =	sbarrier.arrive $0xFFFF  }
0x78: {  	p0 =	sne.s32 s1, $0x0;
	_ =	strace $0x90000047  }
0x79: {  	s0 =	sadd.s32 @!p0 $0x100000, s0;
	[bflag:$0x2] =	sbarrier.arrive $0xFFFF  }
0x7a: {  	[sflag:s0] =	ssyncadd.tile.s32 @!p0 $0x1;
	_ =	shalt  }
.Lfunc_end2:
_tile_overlayer_lowered:
.L_overlay_start_2:
0x7b: {  	(tag) =	ssettag $0x2  }
0x7c: {  	s0 =	rddreg [dreg:$0x0];
	s2 =	stileid.u32  }
0x7d: {  	s1 =	rddreg [dreg:$0x1];
	p0 =	sne.s32 s2, $0x0  }
0x7e: {  	s3 =	rddreg [dreg:$0x2];
	[bflag:$0x3] =	sbarrier.arrive $0xFFFF;
	s2 =	simm.s32 @!p0 $0x1C01  }
0x7f: {  	[timem:s3], [sflag:s2] =	dma.local @!p0 [hbm:s0], s1  }
0x80: {  	s0 =	simm.s32 @!p0 $0x1  }
0x81: {  	_ =	swait.ge @!p0 [sflag:s0], s1  }
0x82: {  	s1 =	ssub.s32 @!p0 $0x0, s1;
	[sflag:s0] =	ssyncset.done @!p0 $0x0  }
0x83: {  	[sflag:s0] =	ssyncadd.s32 @!p0 s1  }
0x84: {  	[bflag:$0x3] =	sbarrier.arrive $0xFFFF  }
0x85: {  	_ =	shalt  }

</sc_bundles>
